<compile_context>
chip_gen: v7x
topology: tpu7x:2x2x1
jax: 0.10.2.dev20260603
libtpu: 0.0.44.dev20260713+nightly
codegen_flags: <defaults>
</compile_context>

<pallas_src>
import functools

import jax
import jax.numpy as jnp
import numpy as np
from jax import lax
from jax.experimental import pallas as pl
from jax.experimental.pallas import tpu as pltpu
from jax.experimental.pallas import tpu_sc as plsc

N_NODES = 10000
N_EDGES = 320000
D = 128

CHUNK = 128
NTILES = 16
NCORES = 2
NCHUNKS_PAD = 2560
CHUNKS_PER_CORE = NCHUNKS_PAD // NCORES
CHUNKS_PER_TILE = CHUNKS_PER_CORE // NTILES
E_PAD = NCHUNKS_PAD * CHUNK
ACC_ROWS = 10240
ROWS_PER_TILE = ACC_ROWS // NTILES
NIDX = 40

N_REAL_CHUNKS = N_EDGES // CHUNK
N_PAD_CHUNKS = NCHUNKS_PAD - N_REAL_CHUNKS

_N_TRASH = ACC_ROWS - N_NODES
_PAD_COL = np.stack([
    (np.arange(CHUNK, dtype=np.int32) + 128 * i) % N_NODES
    for i in range(N_PAD_CHUNKS)
])
_PAD_ROW = N_NODES + np.stack([
    (np.arange(CHUNK, dtype=np.int32) + 53 * i) % _N_TRASH
    for i in range(N_PAD_CHUNKS)
])


def _mlp_body(x_ref, w_ref, b_ref, h_ref):
    h_ref[...] = lax.dot_general(
        x_ref[...], w_ref[...], (((1,), (1,)), ((), ())),
        preferred_element_type=jnp.float32,
    ) + b_ref[...]


def _mlp(x, W, b):
    return pl.pallas_call(
        _mlp_body,
        grid=(10,),
        in_specs=[
            pl.BlockSpec((1000, D), lambda i: (i, 0)),
            pl.BlockSpec((D, D), lambda i: (0, 0)),
            pl.BlockSpec((1, D), lambda i: (0, 0)),
        ],
        out_specs=pl.BlockSpec((1000, D), lambda i: (i, 0)),
        out_shape=jax.ShapeDtypeStruct((N_NODES, D), jnp.float32),
    )(x, W, b.reshape(1, D))


def _add_body(p0_ref, p1_ref, o_ref):
    o_ref[...] = p0_ref[...] + p1_ref[...]


def _combine(p0, p1):
    return pl.pallas_call(
        _add_body,
        grid=(10,),
        in_specs=[
            pl.BlockSpec((1000, D), lambda i: (i, 0)),
            pl.BlockSpec((1000, D), lambda i: (i, 0)),
        ],
        out_specs=pl.BlockSpec((1000, D), lambda i: (i, 0)),
        out_shape=jax.ShapeDtypeStruct((N_NODES, D), jnp.float32),
    )(p0, p1)


def _sc_body(col_hbm, row_hbm, h_hbm, p0_hbm, p1_hbm,
             col_v, row_v, gbuf0, gbuf1, acc, sem0, sem1):
    cid = lax.axis_index("c")
    sid = lax.axis_index("s")
    base = cid * CHUNKS_PER_CORE + sid * CHUNKS_PER_TILE

    zeros16 = jnp.zeros((16,), jnp.float32)

    def zb(i, carry):
        for u in range(8):
            gbuf0[i, pl.ds(u * 16, 16)] = zeros16
        return carry

    with jax.named_scope("zero_acc"):
        lax.fori_loop(0, CHUNK, zb, 0)
        for k in range(ROWS_PER_TILE // CHUNK):
            pltpu.sync_copy(
                gbuf0, acc.at[pl.ds(sid * ROWS_PER_TILE + k * CHUNK, CHUNK)])
        plsc.subcore_barrier()

    for k in range(CHUNKS_PER_TILE // NIDX):
      with jax.named_scope(f"edges_blk{k}"):
        pltpu.sync_copy(col_hbm.at[pl.ds(base + k * NIDX, NIDX)], col_v)
        pltpu.sync_copy(row_hbm.at[pl.ds(base + k * NIDX, NIDX)], row_v)

        pltpu.async_copy(h_hbm.at[col_v.at[0]], gbuf0, sem0)

        def pair(m, carry2):
            pltpu.async_copy(h_hbm.at[col_v.at[2 * m + 1]], gbuf1, sem1)
            pltpu.make_async_copy(h_hbm.at[col_v.at[2 * m]], gbuf0, sem0).wait()
            pltpu.sync_copy(gbuf0, acc.at[row_v.at[2 * m]], add=True)

            @pl.when(m < NIDX // 2 - 1)
            def _():
                pltpu.async_copy(h_hbm.at[col_v.at[2 * m + 2]], gbuf0, sem0)

            pltpu.make_async_copy(
                h_hbm.at[col_v.at[2 * m + 1]], gbuf1, sem1).wait()
            pltpu.sync_copy(gbuf1, acc.at[row_v.at[2 * m + 1]], add=True)
            return carry2

        lax.fori_loop(0, NIDX // 2, pair, 0)

    with jax.named_scope("post_barrier"):
        plsc.subcore_barrier()

    def writeout(p_hbm):
        pltpu.sync_copy(
            acc.at[pl.ds(sid * ROWS_PER_TILE, ROWS_PER_TILE)],
            p_hbm.at[pl.ds(sid * ROWS_PER_TILE, ROWS_PER_TILE)],
        )

    @pl.when(cid == 0)
    def _():
        writeout(p0_hbm)

    @pl.when(cid == 1)
    def _():
        writeout(p1_hbm)


_sc_call_cache = []


def _sc_call(*args):
    if not _sc_call_cache:
        _sc_call_cache.append(functools.partial(
            pl.kernel,
            mesh=plsc.VectorSubcoreMesh(
                core_axis_name="c", subcore_axis_name="s",
            ),
            out_type=[
                jax.ShapeDtypeStruct((ACC_ROWS, D), jnp.float32),
                jax.ShapeDtypeStruct((ACC_ROWS, D), jnp.float32),
            ],
            scratch_types=[
                pltpu.VMEM((NIDX, CHUNK), jnp.int32),
                pltpu.VMEM((NIDX, CHUNK), jnp.int32),
                pltpu.VMEM((CHUNK, D), jnp.float32),
                pltpu.VMEM((CHUNK, D), jnp.float32),
                pltpu.VMEM_SHARED((ACC_ROWS, D), jnp.float32),
                pltpu.SemaphoreType.DMA,
                pltpu.SemaphoreType.DMA,
            ],
        )(_sc_body))
    return _sc_call_cache[0](*args)


@jax.jit
def kernel(x, edge_index, W, b):
    row = edge_index[0].astype(jnp.int32)
    col = edge_index[1].astype(jnp.int32)
    colp = jnp.concatenate(
        [col.reshape(N_REAL_CHUNKS, CHUNK), jnp.asarray(_PAD_COL)])
    rowp = jnp.concatenate(
        [row.reshape(N_REAL_CHUNKS, CHUNK), jnp.asarray(_PAD_ROW)])
    h = _mlp(x, W, b)
    p0, p1 = _sc_call(colp, rowp, h)
    return _combine(p0, p1)

# --- scband reference (transcript-rebuilt; emitter-appended) ---
"""Pipeline reference for scband-only-conv-41351945126298 (READ-ONLY COPY).

The authoritative reference and input builder live on the scoring server;
editing this copy changes nothing except your own understanding.
"""

import jax, jax.numpy as jnp
import numpy as np

N_NODES = 10000
N_EDGES = 320000
D_FEAT = 128

def setup_inputs(seed: int = 0) -> dict:
    key = jax.random.key(seed)
    k1, k2, k3, k4 = jax.random.split(key, 4)
    x = jax.random.normal(k1, (N_NODES, D_FEAT), dtype=jnp.float32)
    edge_index = jax.random.randint(k2, (2, N_EDGES), 0, N_NODES, dtype=jnp.int64)
    # mlp = nn.Linear(D_FEAT, D_FEAT): weight [out, in], bias [out]
    bound = 1.0 / np.sqrt(D_FEAT)
    W = jax.random.uniform(k3, (D_FEAT, D_FEAT), dtype=jnp.float32, minval=-bound, maxval=bound)
    b = jax.random.uniform(k4, (D_FEAT,), dtype=jnp.float32, minval=-bound, maxval=bound)
    return {"x": x, "edge_index": edge_index, "W": W, "b": b}

def reference(x, edge_index, W, b):
    # h = mlp(x)  (nn.Linear: x @ W.T + b)
    h = x @ W.T + b
    # adj @ h where adj is SparseTensor(row=edge_index[0], col=edge_index[1], value=1):
    # out[i] = sum_{edges e with row[e]==i} h[col[e]]
    row = edge_index[0]
    col = edge_index[1]
    gathered = jnp.take(h, col, axis=0)
    out = jax.ops.segment_sum(gathered, row, num_segments=N_NODES)
    return out

if __name__ == "__main__":
    import jax
    _d = setup_inputs()
    print(jax.jit(kernel)(*tuple(_d.values())))

</pallas_src>

<mosaic_0001>
#map = affine_map<(d0, d1) -> (0, 0)>
module attributes {stable_mosaic.version = 14 : i64} {
  func.func @_sc_body(%arg0: i32, %arg1: i32, %arg2: memref<2560x128xi32, #tpu.memory_space<hbm>>, %arg3: memref<2560x128xi32, #tpu.memory_space<hbm>>, %arg4: memref<10000x128xf32, #tpu.memory_space<hbm>>, %arg5: memref<10240x128xf32, #tpu.memory_space<hbm>>, %arg6: memref<10240x128xf32, #tpu.memory_space<hbm>>, %arg7: memref<40x128xi32, #tpu.memory_space<vmem>>, %arg8: memref<40x128xi32, #tpu.memory_space<vmem>>, %arg9: memref<128x128xf32, #tpu.memory_space<vmem>>, %arg10: memref<128x128xf32, #tpu.memory_space<vmem>>, %arg11: memref<10240x128xf32, #tpu.memory_space<vmem_shared>>, %arg12: memref<!tpu.dma_semaphore, #tpu.memory_space<semaphore_mem>>, %arg13: memref<!tpu.dma_semaphore, #tpu.memory_space<semaphore_mem>>) attributes {dimension_semantics = [#tpu.dimension_semantics<core_parallel>, #tpu.dimension_semantics<subcore_parallel>], iteration_bounds = array<i64: 2, 16>, scalar_prefetch = 0 : i64, scratch_operands = 7 : i64, tpu.core_type = #tpu.core_type<sc_vector_subcore>, window_params = [{transform_indices = #map}, {transform_indices = #map}, {transform_indices = #map}, {transform_indices = #map}, {transform_indices = #map}]} {
    %mul3A = arith.constant 1280 : i32
    %mul3A_0 = arith.muli %arg0, %mul3A : i32
    %mul3A_1 = arith.constant 80 : i32
    %mul3A_2 = arith.muli %arg1, %mul3A_1 : i32
    %add3A = arith.addi %mul3A_0, %mul3A_2 : i32
    %broadcast_in_dim3A = arith.constant 0.000000e+00 : f32
    %broadcast_in_dim3A_3 = vector.broadcast %broadcast_in_dim3A : f32 to vector<16xf32>
    "tpu.trace_start"() <{level = 10 : i32, message = "zero_acc"}> : () -> ()
    %scan3A = arith.constant 0 : i32
    %scan3A_4 = arith.constant 0 : i32
    %scan3A_5 = arith.constant 128 : i32
    %scan3A_6 = arith.addi %scan3A_4, %scan3A_5 : i32
    %scan3A_7 = arith.constant 1 : i32
    scf.for %scan3A_70 = %scan3A_4 to %scan3A_6 step %scan3A_7  : i32 {
      %swap3A = arith.index_cast %scan3A_70 : i32 to index
      %swap3A_71 = arith.constant 0 : index
      %swap3A_72 = tpu.vector_load %arg9[%swap3A, %swap3A_71] {strides = array<i32>} : memref<128x128xf32, #tpu.memory_space<vmem>>, vector<1x16xf32>,
      %swap3A_73 = vector.shape_cast %swap3A_72 : vector<1x16xf32> to vector<16xf32>
      %swap3A_74 = vector.shape_cast %broadcast_in_dim3A_3 : vector<16xf32> to vector<1x16xf32>
      tpu.vector_store %arg9[%swap3A, %swap3A_71], %swap3A_74 {strides = array<i32>} : memref<128x128xf32, #tpu.memory_space<vmem>>, vector<1x16xf32>,
      %swap3A_75 = arith.index_cast %scan3A_70 : i32 to index
      %swap3A_76 = arith.constant 16 : index
      %swap3A_77 = tpu.vector_load %arg9[%swap3A_75, %swap3A_76] {strides = array<i32>} : memref<128x128xf32, #tpu.memory_space<vmem>>, vector<1x16xf32>,
      %swap3A_78 = vector.shape_cast %swap3A_77 : vector<1x16xf32> to vector<16xf32>
      %swap3A_79 = vector.shape_cast %broadcast_in_dim3A_3 : vector<16xf32> to vector<1x16xf32>
      tpu.vector_store %arg9[%swap3A_75, %swap3A_76], %swap3A_79 {strides = array<i32>} : memref<128x128xf32, #tpu.memory_space<vmem>>, vector<1x16xf32>,
      %swap3A_80 = arith.index_cast %scan3A_70 : i32 to index
      %swap3A_81 = arith.constant 32 : index
      %swap3A_82 = tpu.vector_load %arg9[%swap3A_80, %swap3A_81] {strides = array<i32>} : memref<128x128xf32, #tpu.memory_space<vmem>>, vector<1x16xf32>,
      %swap3A_83 = vector.shape_cast %swap3A_82 : vector<1x16xf32> to vector<16xf32>
      %swap3A_84 = vector.shape_cast %broadcast_in_dim3A_3 : vector<16xf32> to vector<1x16xf32>
      tpu.vector_store %arg9[%swap3A_80, %swap3A_81], %swap3A_84 {strides = array<i32>} : memref<128x128xf32, #tpu.memory_space<vmem>>, vector<1x16xf32>,
      %swap3A_85 = arith.index_cast %scan3A_70 : i32 to index
      %swap3A_86 = arith.constant 48 : index
      %swap3A_87 = tpu.vector_load %arg9[%swap3A_85, %swap3A_86] {strides = array<i32>} : memref<128x128xf32, #tpu.memory_space<vmem>>, vector<1x16xf32>,
      %swap3A_88 = vector.shape_cast %swap3A_87 : vector<1x16xf32> to vector<16xf32>
      %swap3A_89 = vector.shape_cast %broadcast_in_dim3A_3 : vector<16xf32> to vector<1x16xf32>
      tpu.vector_store %arg9[%swap3A_85, %swap3A_86], %swap3A_89 {strides = array<i32>} : memref<128x128xf32, #tpu.memory_space<vmem>>, vector<1x16xf32>,
      %swap3A_90 = arith.index_cast %scan3A_70 : i32 to index
      %swap3A_91 = arith.constant 64 : index
      %swap3A_92 = tpu.vector_load %arg9[%swap3A_90, %swap3A_91] {strides = array<i32>} : memref<128x128xf32, #tpu.memory_space<vmem>>, vector<1x16xf32>,
      %swap3A_93 = vector.shape_cast %swap3A_92 : vector<1x16xf32> to vector<16xf32>
      %swap3A_94 = vector.shape_cast %broadcast_in_dim3A_3 : vector<16xf32> to vector<1x16xf32>
      tpu.vector_store %arg9[%swap3A_90, %swap3A_91], %swap3A_94 {strides = array<i32>} : memref<128x128xf32, #tpu.memory_space<vmem>>, vector<1x16xf32>,
      %swap3A_95 = arith.index_cast %scan3A_70 : i32 to index
      %swap3A_96 = arith.constant 80 : index
      %swap3A_97 = tpu.vector_load %arg9[%swap3A_95, %swap3A_96] {strides = array<i32>} : memref<128x128xf32, #tpu.memory_space<vmem>>, vector<1x16xf32>,
      %swap3A_98 = vector.shape_cast %swap3A_97 : vector<1x16xf32> to vector<16xf32>
      %swap3A_99 = vector.shape_cast %broadcast_in_dim3A_3 : vector<16xf32> to vector<1x16xf32>
      tpu.vector_store %arg9[%swap3A_95, %swap3A_96], %swap3A_99 {strides = array<i32>} : memref<128x128xf32, #tpu.memory_space<vmem>>, vector<1x16xf32>,
      %swap3A_100 = arith.index_cast %scan3A_70 : i32 to index
      %swap3A_101 = arith.constant 96 : index
      %swap3A_102 = tpu.vector_load %arg9[%swap3A_100, %swap3A_101] {strides = array<i32>} : memref<128x128xf32, #tpu.memory_space<vmem>>, vector<1x16xf32>,
      %swap3A_103 = vector.shape_cast %swap3A_102 : vector<1x16xf32> to vector<16xf32>
      %swap3A_104 = vector.shape_cast %broadcast_in_dim3A_3 : vector<16xf32> to vector<1x16xf32>
      tpu.vector_store %arg9[%swap3A_100, %swap3A_101], %swap3A_104 {strides = array<i32>} : memref<128x128xf32, #tpu.memory_space<vmem>>, vector<1x16xf32>,
      %swap3A_105 = arith.index_cast %scan3A_70 : i32 to index
      %swap3A_106 = arith.constant 112 : index
      %swap3A_107 = tpu.vector_load %arg9[%swap3A_105, %swap3A_106] {strides = array<i32>} : memref<128x128xf32, #tpu.memory_space<vmem>>, vector<1x16xf32>,
      %swap3A_108 = vector.shape_cast %swap3A_107 : vector<1x16xf32> to vector<16xf32>
      %swap3A_109 = vector.shape_cast %broadcast_in_dim3A_3 : vector<16xf32> to vector<1x16xf32>
      tpu.vector_store %arg9[%swap3A_105, %swap3A_106], %swap3A_109 {strides = array<i32>} : memref<128x128xf32, #tpu.memory_space<vmem>>, vector<1x16xf32>,
    }
    %scan3A_8 = arith.constant 128 : i32
    %mul3A_9 = arith.constant 640 : i32
    %mul3A_10 = arith.muli %arg1, %mul3A_9 : i32
    %add3A_11 = arith.constant 0 : i32
    %add3A_12 = arith.addi %mul3A_10, %add3A_11 : i32
    "tpu.region"() ({
      %run_scoped3A = tpu.sem_alloc : memref<!tpu.dma_semaphore, #tpu.memory_space<semaphore_mem>>
      %dma_start3A_70 = arith.constant 0 : i32
      %dma_start3A_71 = tpu.memref_slice %arg11[%add3A_12, %dma_start3A_70] : memref<10240x128xf32, #tpu.memory_space<vmem_shared>> -> memref<128x128xf32, #tpu.memory_space<vmem_shared>>
      %dma_start3A_72 = arith.constant 0 : i32
      %dma_start3A_73 = tpu.memref_slice %arg11[%add3A_12, %dma_start3A_72] : memref<10240x128xf32, #tpu.memory_space<vmem_shared>> -> memref<128x128xf32, #tpu.memory_space<vmem_shared>>
      tpu.enqueue_dma source(%arg9 : memref<128x128xf32, #tpu.memory_space<vmem>>) target(%dma_start3A_73 : memref<128x128xf32, #tpu.memory_space<vmem_shared>>) target_semaphore(%run_scoped3A : memref<!tpu.dma_semaphore, #tpu.memory_space<semaphore_mem>>)
      %dma_wait3A = arith.constant 0 : i32
      %dma_wait3A_74 = tpu.memref_slice %arg11[%add3A_12, %dma_wait3A] : memref<10240x128xf32, #tpu.memory_space<vmem_shared>> -> memref<128x128xf32, #tpu.memory_space<vmem_shared>>
      %dma_wait3A_75 = arith.constant 0 : i32
      %dma_wait3A_76 = tpu.memref_slice %arg11[%add3A_12, %dma_wait3A_75] : memref<10240x128xf32, #tpu.memory_space<vmem_shared>> -> memref<128x128xf32, #tpu.memory_space<vmem_shared>>
      tpu.wait_dma2 semaphore(%run_scoped3A : memref<!tpu.dma_semaphore, #tpu.memory_space<semaphore_mem>>) src(%arg9 : memref<128x128xf32, #tpu.memory_space<vmem>>) dst(%dma_wait3A_76 : memref<128x128xf32, #tpu.memory_space<vmem_shared>>)
      tpu.yield
    }) : () -> ()
    %mul3A_13 = arith.constant 640 : i32
    %mul3A_14 = arith.muli %arg1, %mul3A_13 : i32
    %add3A_15 = arith.constant 128 : i32
    %add3A_16 = arith.addi %mul3A_14, %add3A_15 : i32
    "tpu.region"() ({
      %run_scoped3A = tpu.sem_alloc : memref<!tpu.dma_semaphore, #tpu.memory_space<semaphore_mem>>
      %dma_start3A_70 = arith.constant 0 : i32
      %dma_start3A_71 = tpu.memref_slice %arg11[%add3A_16, %dma_start3A_70] : memref<10240x128xf32, #tpu.memory_space<vmem_shared>> -> memref<128x128xf32, #tpu.memory_space<vmem_shared>>
      %dma_start3A_72 = arith.constant 0 : i32
      %dma_start3A_73 = tpu.memref_slice %arg11[%add3A_16, %dma_start3A_72] : memref<10240x128xf32, #tpu.memory_space<vmem_shared>> -> memref<128x128xf32, #tpu.memory_space<vmem_shared>>
      tpu.enqueue_dma source(%arg9 : memref<128x128xf32, #tpu.memory_space<vmem>>) target(%dma_start3A_73 : memref<128x128xf32, #tpu.memory_space<vmem_shared>>) target_semaphore(%run_scoped3A : memref<!tpu.dma_semaphore, #tpu.memory_space<semaphore_mem>>)
      %dma_wait3A = arith.constant 0 : i32
      %dma_wait3A_74 = tpu.memref_slice %arg11[%add3A_16, %dma_wait3A] : memref<10240x128xf32, #tpu.memory_space<vmem_shared>> -> memref<128x128xf32, #tpu.memory_space<vmem_shared>>
      %dma_wait3A_75 = arith.constant 0 : i32
      %dma_wait3A_76 = tpu.memref_slice %arg11[%add3A_16, %dma_wait3A_75] : memref<10240x128xf32, #tpu.memory_space<vmem_shared>> -> memref<128x128xf32, #tpu.memory_space<vmem_shared>>
      tpu.wait_dma2 semaphore(%run_scoped3A : memref<!tpu.dma_semaphore, #tpu.memory_space<semaphore_mem>>) src(%arg9 : memref<128x128xf32, #tpu.memory_space<vmem>>) dst(%dma_wait3A_76 : memref<128x128xf32, #tpu.memory_space<vmem_shared>>)
      tpu.yield
    }) : () -> ()
    %mul3A_17 = arith.constant 640 : i32
    %mul3A_18 = arith.muli %arg1, %mul3A_17 : i32
    %add3A_19 = arith.constant 256 : i32
    %add3A_20 = arith.addi %mul3A_18, %add3A_19 : i32
    "tpu.region"() ({
      %run_scoped3A = tpu.sem_alloc : memref<!tpu.dma_semaphore, #tpu.memory_space<semaphore_mem>>
      %dma_start3A_70 = arith.constant 0 : i32
      %dma_start3A_71 = tpu.memref_slice %arg11[%add3A_20, %dma_start3A_70] : memref<10240x128xf32, #tpu.memory_space<vmem_shared>> -> memref<128x128xf32, #tpu.memory_space<vmem_shared>>
      %dma_start3A_72 = arith.constant 0 : i32
      %dma_start3A_73 = tpu.memref_slice %arg11[%add3A_20, %dma_start3A_72] : memref<10240x128xf32, #tpu.memory_space<vmem_shared>> -> memref<128x128xf32, #tpu.memory_space<vmem_shared>>
      tpu.enqueue_dma source(%arg9 : memref<128x128xf32, #tpu.memory_space<vmem>>) target(%dma_start3A_73 : memref<128x128xf32, #tpu.memory_space<vmem_shared>>) target_semaphore(%run_scoped3A : memref<!tpu.dma_semaphore, #tpu.memory_space<semaphore_mem>>)
      %dma_wait3A = arith.constant 0 : i32
      %dma_wait3A_74 = tpu.memref_slice %arg11[%add3A_20, %dma_wait3A] : memref<10240x128xf32, #tpu.memory_space<vmem_shared>> -> memref<128x128xf32, #tpu.memory_space<vmem_shared>>
      %dma_wait3A_75 = arith.constant 0 : i32
      %dma_wait3A_76 = tpu.memref_slice %arg11[%add3A_20, %dma_wait3A_75] : memref<10240x128xf32, #tpu.memory_space<vmem_shared>> -> memref<128x128xf32, #tpu.memory_space<vmem_shared>>
      tpu.wait_dma2 semaphore(%run_scoped3A : memref<!tpu.dma_semaphore, #tpu.memory_space<semaphore_mem>>) src(%arg9 : memref<128x128xf32, #tpu.memory_space<vmem>>) dst(%dma_wait3A_76 : memref<128x128xf32, #tpu.memory_space<vmem_shared>>)
      tpu.yield
    }) : () -> ()
    %mul3A_21 = arith.constant 640 : i32
    %mul3A_22 = arith.muli %arg1, %mul3A_21 : i32
    %add3A_23 = arith.constant 384 : i32
    %add3A_24 = arith.addi %mul3A_22, %add3A_23 : i32
    "tpu.region"() ({
      %run_scoped3A = tpu.sem_alloc : memref<!tpu.dma_semaphore, #tpu.memory_space<semaphore_mem>>
      %dma_start3A_70 = arith.constant 0 : i32
      %dma_start3A_71 = tpu.memref_slice %arg11[%add3A_24, %dma_start3A_70] : memref<10240x128xf32, #tpu.memory_space<vmem_shared>> -> memref<128x128xf32, #tpu.memory_space<vmem_shared>>
      %dma_start3A_72 = arith.constant 0 : i32
      %dma_start3A_73 = tpu.memref_slice %arg11[%add3A_24, %dma_start3A_72] : memref<10240x128xf32, #tpu.memory_space<vmem_shared>> -> memref<128x128xf32, #tpu.memory_space<vmem_shared>>
      tpu.enqueue_dma source(%arg9 : memref<128x128xf32, #tpu.memory_space<vmem>>) target(%dma_start3A_73 : memref<128x128xf32, #tpu.memory_space<vmem_shared>>) target_semaphore(%run_scoped3A : memref<!tpu.dma_semaphore, #tpu.memory_space<semaphore_mem>>)
      %dma_wait3A = arith.constant 0 : i32
      %dma_wait3A_74 = tpu.memref_slice %arg11[%add3A_24, %dma_wait3A] : memref<10240x128xf32, #tpu.memory_space<vmem_shared>> -> memref<128x128xf32, #tpu.memory_space<vmem_shared>>
      %dma_wait3A_75 = arith.constant 0 : i32
      %dma_wait3A_76 = tpu.memref_slice %arg11[%add3A_24, %dma_wait3A_75] : memref<10240x128xf32, #tpu.memory_space<vmem_shared>> -> memref<128x128xf32, #tpu.memory_space<vmem_shared>>
      tpu.wait_dma2 semaphore(%run_scoped3A : memref<!tpu.dma_semaphore, #tpu.memory_space<semaphore_mem>>) src(%arg9 : memref<128x128xf32, #tpu.memory_space<vmem>>) dst(%dma_wait3A_76 : memref<128x128xf32, #tpu.memory_space<vmem_shared>>)
      tpu.yield
    }) : () -> ()
    %mul3A_25 = arith.constant 640 : i32
    %mul3A_26 = arith.muli %arg1, %mul3A_25 : i32
    %add3A_27 = arith.constant 512 : i32
    %add3A_28 = arith.addi %mul3A_26, %add3A_27 : i32
    "tpu.region"() ({
      %run_scoped3A = tpu.sem_alloc : memref<!tpu.dma_semaphore, #tpu.memory_space<semaphore_mem>>
      %dma_start3A_70 = arith.constant 0 : i32
      %dma_start3A_71 = tpu.memref_slice %arg11[%add3A_28, %dma_start3A_70] : memref<10240x128xf32, #tpu.memory_space<vmem_shared>> -> memref<128x128xf32, #tpu.memory_space<vmem_shared>>
      %dma_start3A_72 = arith.constant 0 : i32
      %dma_start3A_73 = tpu.memref_slice %arg11[%add3A_28, %dma_start3A_72] : memref<10240x128xf32, #tpu.memory_space<vmem_shared>> -> memref<128x128xf32, #tpu.memory_space<vmem_shared>>
      tpu.enqueue_dma source(%arg9 : memref<128x128xf32, #tpu.memory_space<vmem>>) target(%dma_start3A_73 : memref<128x128xf32, #tpu.memory_space<vmem_shared>>) target_semaphore(%run_scoped3A : memref<!tpu.dma_semaphore, #tpu.memory_space<semaphore_mem>>)
      %dma_wait3A = arith.constant 0 : i32
      %dma_wait3A_74 = tpu.memref_slice %arg11[%add3A_28, %dma_wait3A] : memref<10240x128xf32, #tpu.memory_space<vmem_shared>> -> memref<128x128xf32, #tpu.memory_space<vmem_shared>>
      %dma_wait3A_75 = arith.constant 0 : i32
      %dma_wait3A_76 = tpu.memref_slice %arg11[%add3A_28, %dma_wait3A_75] : memref<10240x128xf32, #tpu.memory_space<vmem_shared>> -> memref<128x128xf32, #tpu.memory_space<vmem_shared>>
      tpu.wait_dma2 semaphore(%run_scoped3A : memref<!tpu.dma_semaphore, #tpu.memory_space<semaphore_mem>>) src(%arg9 : memref<128x128xf32, #tpu.memory_space<vmem>>) dst(%dma_wait3A_76 : memref<128x128xf32, #tpu.memory_space<vmem_shared>>)
      tpu.yield
    }) : () -> ()
    %barrier3A = arith.constant 0 : index
    tpu.barrier barrier_id(%barrier3A)
    "tpu.trace_stop"() : () -> ()
    "tpu.trace_start"() <{level = 10 : i32, message = "edges_blk0"}> : () -> ()
    %add3A_29 = arith.constant 0 : i32
    %add3A_30 = arith.addi %add3A, %add3A_29 : i32
    "tpu.region"() ({
      %run_scoped3A = tpu.sem_alloc : memref<!tpu.dma_semaphore, #tpu.memory_space<semaphore_mem>>
      %dma_start3A_70 = arith.constant 0 : i32
      %dma_start3A_71 = tpu.memref_slice %arg2[%add3A_30, %dma_start3A_70] : memref<2560x128xi32, #tpu.memory_space<hbm>> -> memref<40x128xi32, #tpu.memory_space<hbm>>
      %dma_start3A_72 = arith.constant 0 : i32
      %dma_start3A_73 = tpu.memref_slice %arg2[%add3A_30, %dma_start3A_72] : memref<2560x128xi32, #tpu.memory_space<hbm>> -> memref<40x128xi32, #tpu.memory_space<hbm>>
      tpu.enqueue_dma source(%dma_start3A_73 : memref<40x128xi32, #tpu.memory_space<hbm>>) target(%arg7 : memref<40x128xi32, #tpu.memory_space<vmem>>) target_semaphore(%run_scoped3A : memref<!tpu.dma_semaphore, #tpu.memory_space<semaphore_mem>>)
      %dma_wait3A = arith.constant 0 : i32
      %dma_wait3A_74 = tpu.memref_slice %arg2[%add3A_30, %dma_wait3A] : memref<2560x128xi32, #tpu.memory_space<hbm>> -> memref<40x128xi32, #tpu.memory_space<hbm>>
      %dma_wait3A_75 = arith.constant 0 : i32
      %dma_wait3A_76 = tpu.memref_slice %arg2[%add3A_30, %dma_wait3A_75] : memref<2560x128xi32, #tpu.memory_space<hbm>> -> memref<40x128xi32, #tpu.memory_space<hbm>>
      tpu.wait_dma2 semaphore(%run_scoped3A : memref<!tpu.dma_semaphore, #tpu.memory_space<semaphore_mem>>) src(%dma_wait3A_76 : memref<40x128xi32, #tpu.memory_space<hbm>>) dst(%arg7 : memref<40x128xi32, #tpu.memory_space<vmem>>)
      tpu.yield
    }) : () -> ()
    %add3A_31 = arith.constant 0 : i32
    %add3A_32 = arith.addi %add3A, %add3A_31 : i32
    "tpu.region"() ({
      %run_scoped3A = tpu.sem_alloc : memref<!tpu.dma_semaphore, #tpu.memory_space<semaphore_mem>>
      %dma_start3A_70 = arith.constant 0 : i32
      %dma_start3A_71 = tpu.memref_slice %arg3[%add3A_32, %dma_start3A_70] : memref<2560x128xi32, #tpu.memory_space<hbm>> -> memref<40x128xi32, #tpu.memory_space<hbm>>
      %dma_start3A_72 = arith.constant 0 : i32
      %dma_start3A_73 = tpu.memref_slice %arg3[%add3A_32, %dma_start3A_72] : memref<2560x128xi32, #tpu.memory_space<hbm>> -> memref<40x128xi32, #tpu.memory_space<hbm>>
      tpu.enqueue_dma source(%dma_start3A_73 : memref<40x128xi32, #tpu.memory_space<hbm>>) target(%arg8 : memref<40x128xi32, #tpu.memory_space<vmem>>) target_semaphore(%run_scoped3A : memref<!tpu.dma_semaphore, #tpu.memory_space<semaphore_mem>>)
      %dma_wait3A = arith.constant 0 : i32
      %dma_wait3A_74 = tpu.memref_slice %arg3[%add3A_32, %dma_wait3A] : memref<2560x128xi32, #tpu.memory_space<hbm>> -> memref<40x128xi32, #tpu.memory_space<hbm>>
      %dma_wait3A_75 = arith.constant 0 : i32
      %dma_wait3A_76 = tpu.memref_slice %arg3[%add3A_32, %dma_wait3A_75] : memref<2560x128xi32, #tpu.memory_space<hbm>> -> memref<40x128xi32, #tpu.memory_space<hbm>>
      tpu.wait_dma2 semaphore(%run_scoped3A : memref<!tpu.dma_semaphore, #tpu.memory_space<semaphore_mem>>) src(%dma_wait3A_76 : memref<40x128xi32, #tpu.memory_space<hbm>>) dst(%arg8 : memref<40x128xi32, #tpu.memory_space<vmem>>)
      tpu.yield
    }) : () -> ()
    %dma_start3A = arith.constant 0 : i32
    %dma_start3A_33 = arith.constant 0 : i32
    %dma_start3A_34 = tpu.memref_slice %arg7[%dma_start3A, %dma_start3A_33] : memref<40x128xi32, #tpu.memory_space<vmem>> -> memref<1x128xi32, #tpu.memory_space<vmem>>
    %dma_start3A_35 = tpu.memref_squeeze %dma_start3A_34 : memref<1x128xi32, #tpu.memory_space<vmem>> -> memref<128xi32, #tpu.memory_space<vmem>>
    %dma_start3A_36 = arith.constant 0 : i32
    %dma_start3A_37 = arith.constant 0 : i32
    %dma_start3A_38 = tpu.memref_slice %arg4[%dma_start3A_36, %dma_start3A_37] : memref<10000x128xf32, #tpu.memory_space<hbm>> -> memref<10000x128xf32, #tpu.memory_space<hbm>>
    tpu.enqueue_indirect_dma source(%dma_start3A_38 : memref<10000x128xf32, #tpu.memory_space<hbm>>) target(%arg9 : memref<128x128xf32, #tpu.memory_space<vmem>>) offsets(%dma_start3A_35 : memref<128xi32, #tpu.memory_space<vmem>>) semaphore(%arg12 : memref<!tpu.dma_semaphore, #tpu.memory_space<semaphore_mem>>)
    %scan3A_39 = arith.constant 0 : i32
    %scan3A_40 = arith.constant 0 : i32
    %scan3A_41 = arith.constant 20 : i32
    %scan3A_42 = arith.addi %scan3A_40, %scan3A_41 : i32
    %scan3A_43 = arith.constant 1 : i32
    scf.for %scan3A_70 = %scan3A_40 to %scan3A_42 step %scan3A_43  : i32 {
      %mul3A_71 = arith.constant 2 : i32
      %mul3A_72 = arith.muli %mul3A_71, %scan3A_70 : i32
      %add3A_73 = arith.constant 1 : i32
      %add3A_74 = arith.addi %mul3A_72, %add3A_73 : i32
      %dma_start3A_75 = arith.constant 0 : i32
      %dma_start3A_76 = tpu.memref_slice %arg7[%add3A_74, %dma_start3A_75] : memref<40x128xi32, #tpu.memory_space<vmem>> -> memref<1x128xi32, #tpu.memory_space<vmem>>
      %dma_start3A_77 = tpu.memref_squeeze %dma_start3A_76 : memref<1x128xi32, #tpu.memory_space<vmem>> -> memref<128xi32, #tpu.memory_space<vmem>>
      %dma_start3A_78 = arith.constant 0 : i32
      %dma_start3A_79 = arith.constant 0 : i32
      %dma_start3A_80 = tpu.memref_slice %arg4[%dma_start3A_78, %dma_start3A_79] : memref<10000x128xf32, #tpu.memory_space<hbm>> -> memref<10000x128xf32, #tpu.memory_space<hbm>>
      tpu.enqueue_indirect_dma source(%dma_start3A_80 : memref<10000x128xf32, #tpu.memory_space<hbm>>) target(%arg10 : memref<128x128xf32, #tpu.memory_space<vmem>>) offsets(%dma_start3A_77 : memref<128xi32, #tpu.memory_space<vmem>>) semaphore(%arg13 : memref<!tpu.dma_semaphore, #tpu.memory_space<semaphore_mem>>)
      %mul3A_81 = arith.constant 2 : i32
      %mul3A_82 = arith.muli %mul3A_81, %scan3A_70 : i32
      %dma_wait3A = arith.constant 0 : i32
      %dma_wait3A_83 = tpu.memref_slice %arg7[%mul3A_82, %dma_wait3A] : memref<40x128xi32, #tpu.memory_space<vmem>> -> memref<1x128xi32, #tpu.memory_space<vmem>>
      %dma_wait3A_84 = tpu.memref_squeeze %dma_wait3A_83 : memref<1x128xi32, #tpu.memory_space<vmem>> -> memref<128xi32, #tpu.memory_space<vmem>>
      %dma_wait3A_85 = arith.constant 0 : i32
      %dma_wait3A_86 = arith.constant 0 : i32
      %dma_wait3A_87 = tpu.memref_slice %arg4[%dma_wait3A_85, %dma_wait3A_86] : memref<10000x128xf32, #tpu.memory_space<hbm>> -> memref<10000x128xf32, #tpu.memory_space<hbm>>
      tpu.wait_indirect_dma semaphore(%arg12 : memref<!tpu.dma_semaphore, #tpu.memory_space<semaphore_mem>>) src(%dma_wait3A_87 : memref<10000x128xf32, #tpu.memory_space<hbm>>) dst(%arg9 : memref<128x128xf32, #tpu.memory_space<vmem>>)
      %mul3A_88 = arith.constant 2 : i32
      %mul3A_89 = arith.muli %mul3A_88, %scan3A_70 : i32
      "tpu.region"() ({
        %run_scoped3A = tpu.sem_alloc : memref<!tpu.dma_semaphore, #tpu.memory_space<semaphore_mem>>
        %dma_start3A_108 = arith.constant 0 : i32
        %dma_start3A_109 = tpu.memref_slice %arg8[%mul3A_89, %dma_start3A_108] : memref<40x128xi32, #tpu.memory_space<vmem>> -> memref<1x128xi32, #tpu.memory_space<vmem>>
        %dma_start3A_110 = tpu.memref_squeeze %dma_start3A_109 : memref<1x128xi32, #tpu.memory_space<vmem>> -> memref<128xi32, #tpu.memory_space<vmem>>
        %dma_start3A_111 = arith.constant 0 : i32
        %dma_start3A_112 = arith.constant 0 : i32
        %dma_start3A_113 = tpu.memref_slice %arg11[%dma_start3A_111, %dma_start3A_112] : memref<10240x128xf32, #tpu.memory_space<vmem_shared>> -> memref<10240x128xf32, #tpu.memory_space<vmem_shared>>
        tpu.enqueue_indirect_dma source(%arg9 : memref<128x128xf32, #tpu.memory_space<vmem>>) target(%dma_start3A_113 : memref<10240x128xf32, #tpu.memory_space<vmem_shared>>) offsets(%dma_start3A_110 : memref<128xi32, #tpu.memory_space<vmem>>) semaphore(%run_scoped3A : memref<!tpu.dma_semaphore, #tpu.memory_space<semaphore_mem>>) {add = true}
        %dma_wait3A_114 = arith.constant 0 : i32
        %dma_wait3A_115 = tpu.memref_slice %arg8[%mul3A_89, %dma_wait3A_114] : memref<40x128xi32, #tpu.memory_space<vmem>> -> memref<1x128xi32, #tpu.memory_space<vmem>>
        %dma_wait3A_116 = tpu.memref_squeeze %dma_wait3A_115 : memref<1x128xi32, #tpu.memory_space<vmem>> -> memref<128xi32, #tpu.memory_space<vmem>>
        %dma_wait3A_117 = arith.constant 0 : i32
        %dma_wait3A_118 = arith.constant 0 : i32
        %dma_wait3A_119 = tpu.memref_slice %arg11[%dma_wait3A_117, %dma_wait3A_118] : memref<10240x128xf32, #tpu.memory_space<vmem_shared>> -> memref<10240x128xf32, #tpu.memory_space<vmem_shared>>
        tpu.wait_indirect_dma semaphore(%run_scoped3A : memref<!tpu.dma_semaphore, #tpu.memory_space<semaphore_mem>>) src(%arg9 : memref<128x128xf32, #tpu.memory_space<vmem>>) dst(%dma_wait3A_119 : memref<10240x128xf32, #tpu.memory_space<vmem_shared>>)
        tpu.yield
      }) : () -> ()
      %lt3A = arith.constant 19 : i32
      %lt3A_90 = arith.cmpi slt, %scan3A_70, %lt3A : i32
      %convert_element_type3A_91 = arith.extui %lt3A_90 : i1 to i32
      %cond3A_92 = arith.constant 0 : i32
      %cond3A_93 = arith.cmpi ne, %convert_element_type3A_91, %cond3A_92 : i32
      scf.if %cond3A_93 {
        %mul3A_108 = arith.constant 2 : i32
        %mul3A_109 = arith.muli %mul3A_108, %scan3A_70 : i32
        %add3A_110 = arith.constant 2 : i32
        %add3A_111 = arith.addi %mul3A_109, %add3A_110 : i32
        %dma_start3A_112 = arith.constant 0 : i32
        %dma_start3A_113 = tpu.memref_slice %arg7[%add3A_111, %dma_start3A_112] : memref<40x128xi32, #tpu.memory_space<vmem>> -> memref<1x128xi32, #tpu.memory_space<vmem>>
        %dma_start3A_114 = tpu.memref_squeeze %dma_start3A_113 : memref<1x128xi32, #tpu.memory_space<vmem>> -> memref<128xi32, #tpu.memory_space<vmem>>
        %dma_start3A_115 = arith.constant 0 : i32
        %dma_start3A_116 = arith.constant 0 : i32
        %dma_start3A_117 = tpu.memref_slice %arg4[%dma_start3A_115, %dma_start3A_116] : memref<10000x128xf32, #tpu.memory_space<hbm>> -> memref<10000x128xf32, #tpu.memory_space<hbm>>
        tpu.enqueue_indirect_dma source(%dma_start3A_117 : memref<10000x128xf32, #tpu.memory_space<hbm>>) target(%arg9 : memref<128x128xf32, #tpu.memory_space<vmem>>) offsets(%dma_start3A_114 : memref<128xi32, #tpu.memory_space<vmem>>) semaphore(%arg12 : memref<!tpu.dma_semaphore, #tpu.memory_space<semaphore_mem>>)
      } else {
      }
      %mul3A_94 = arith.constant 2 : i32
      %mul3A_95 = arith.muli %mul3A_94, %scan3A_70 : i32
      %add3A_96 = arith.constant 1 : i32
      %add3A_97 = arith.addi %mul3A_95, %add3A_96 : i32
      %dma_wait3A_98 = arith.constant 0 : i32
      %dma_wait3A_99 = tpu.memref_slice %arg7[%add3A_97, %dma_wait3A_98] : memref<40x128xi32, #tpu.memory_space<vmem>> -> memref<1x128xi32, #tpu.memory_space<vmem>>
      %dma_wait3A_100 = tpu.memref_squeeze %dma_wait3A_99 : memref<1x128xi32, #tpu.memory_space<vmem>> -> memref<128xi32, #tpu.memory_space<vmem>>
      %dma_wait3A_101 = arith.constant 0 : i32
      %dma_wait3A_102 = arith.constant 0 : i32
      %dma_wait3A_103 = tpu.memref_slice %arg4[%dma_wait3A_101, %dma_wait3A_102] : memref<10000x128xf32, #tpu.memory_space<hbm>> -> memref<10000x128xf32, #tpu.memory_space<hbm>>
      tpu.wait_indirect_dma semaphore(%arg13 : memref<!tpu.dma_semaphore, #tpu.memory_space<semaphore_mem>>) src(%dma_wait3A_103 : memref<10000x128xf32, #tpu.memory_space<hbm>>) dst(%arg10 : memref<128x128xf32, #tpu.memory_space<vmem>>)
      %mul3A_104 = arith.constant 2 : i32
      %mul3A_105 = arith.muli %mul3A_104, %scan3A_70 : i32
      %add3A_106 = arith.constant 1 : i32
      %add3A_107 = arith.addi %mul3A_105, %add3A_106 : i32
      "tpu.region"() ({
        %run_scoped3A = tpu.sem_alloc : memref<!tpu.dma_semaphore, #tpu.memory_space<semaphore_mem>>
        %dma_start3A_108 = arith.constant 0 : i32
        %dma_start3A_109 = tpu.memref_slice %arg8[%add3A_107, %dma_start3A_108] : memref<40x128xi32, #tpu.memory_space<vmem>> -> memref<1x128xi32, #tpu.memory_space<vmem>>
        %dma_start3A_110 = tpu.memref_squeeze %dma_start3A_109 : memref<1x128xi32, #tpu.memory_space<vmem>> -> memref<128xi32, #tpu.memory_space<vmem>>
        %dma_start3A_111 = arith.constant 0 : i32
        %dma_start3A_112 = arith.constant 0 : i32
        %dma_start3A_113 = tpu.memref_slice %arg11[%dma_start3A_111, %dma_start3A_112] : memref<10240x128xf32, #tpu.memory_space<vmem_shared>> -> memref<10240x128xf32, #tpu.memory_space<vmem_shared>>
        tpu.enqueue_indirect_dma source(%arg10 : memref<128x128xf32, #tpu.memory_space<vmem>>) target(%dma_start3A_113 : memref<10240x128xf32, #tpu.memory_space<vmem_shared>>) offsets(%dma_start3A_110 : memref<128xi32, #tpu.memory_space<vmem>>) semaphore(%run_scoped3A : memref<!tpu.dma_semaphore, #tpu.memory_space<semaphore_mem>>) {add = true}
        %dma_wait3A_114 = arith.constant 0 : i32
        %dma_wait3A_115 = tpu.memref_slice %arg8[%add3A_107, %dma_wait3A_114] : memref<40x128xi32, #tpu.memory_space<vmem>> -> memref<1x128xi32, #tpu.memory_space<vmem>>
        %dma_wait3A_116 = tpu.memref_squeeze %dma_wait3A_115 : memref<1x128xi32, #tpu.memory_space<vmem>> -> memref<128xi32, #tpu.memory_space<vmem>>
        %dma_wait3A_117 = arith.constant 0 : i32
        %dma_wait3A_118 = arith.constant 0 : i32
        %dma_wait3A_119 = tpu.memref_slice %arg11[%dma_wait3A_117, %dma_wait3A_118] : memref<10240x128xf32, #tpu.memory_space<vmem_shared>> -> memref<10240x128xf32, #tpu.memory_space<vmem_shared>>
        tpu.wait_indirect_dma semaphore(%run_scoped3A : memref<!tpu.dma_semaphore, #tpu.memory_space<semaphore_mem>>) src(%arg10 : memref<128x128xf32, #tpu.memory_space<vmem>>) dst(%dma_wait3A_119 : memref<10240x128xf32, #tpu.memory_space<vmem_shared>>)
        tpu.yield
      }) : () -> ()
    }
    %scan3A_44 = arith.constant 20 : i32
    "tpu.trace_stop"() : () -> ()
    "tpu.trace_start"() <{level = 10 : i32, message = "edges_blk1"}> : () -> ()
    %add3A_45 = arith.constant 40 : i32
    %add3A_46 = arith.addi %add3A, %add3A_45 : i32
    "tpu.region"() ({
      %run_scoped3A = tpu.sem_alloc : memref<!tpu.dma_semaphore, #tpu.memory_space<semaphore_mem>>
      %dma_start3A_70 = arith.constant 0 : i32
      %dma_start3A_71 = tpu.memref_slice %arg2[%add3A_46, %dma_start3A_70] : memref<2560x128xi32, #tpu.memory_space<hbm>> -> memref<40x128xi32, #tpu.memory_space<hbm>>
      %dma_start3A_72 = arith.constant 0 : i32
      %dma_start3A_73 = tpu.memref_slice %arg2[%add3A_46, %dma_start3A_72] : memref<2560x128xi32, #tpu.memory_space<hbm>> -> memref<40x128xi32, #tpu.memory_space<hbm>>
      tpu.enqueue_dma source(%dma_start3A_73 : memref<40x128xi32, #tpu.memory_space<hbm>>) target(%arg7 : memref<40x128xi32, #tpu.memory_space<vmem>>) target_semaphore(%run_scoped3A : memref<!tpu.dma_semaphore, #tpu.memory_space<semaphore_mem>>)
      %dma_wait3A = arith.constant 0 : i32
      %dma_wait3A_74 = tpu.memref_slice %arg2[%add3A_46, %dma_wait3A] : memref<2560x128xi32, #tpu.memory_space<hbm>> -> memref<40x128xi32, #tpu.memory_space<hbm>>
      %dma_wait3A_75 = arith.constant 0 : i32
      %dma_wait3A_76 = tpu.memref_slice %arg2[%add3A_46, %dma_wait3A_75] : memref<2560x128xi32, #tpu.memory_space<hbm>> -> memref<40x128xi32, #tpu.memory_space<hbm>>
      tpu.wait_dma2 semaphore(%run_scoped3A : memref<!tpu.dma_semaphore, #tpu.memory_space<semaphore_mem>>) src(%dma_wait3A_76 : memref<40x128xi32, #tpu.memory_space<hbm>>) dst(%arg7 : memref<40x128xi32, #tpu.memory_space<vmem>>)
      tpu.yield
    }) : () -> ()
    %add3A_47 = arith.constant 40 : i32
    %add3A_48 = arith.addi %add3A, %add3A_47 : i32
    "tpu.region"() ({
      %run_scoped3A = tpu.sem_alloc : memref<!tpu.dma_semaphore, #tpu.memory_space<semaphore_mem>>
      %dma_start3A_70 = arith.constant 0 : i32
      %dma_start3A_71 = tpu.memref_slice %arg3[%add3A_48, %dma_start3A_70] : memref<2560x128xi32, #tpu.memory_space<hbm>> -> memref<40x128xi32, #tpu.memory_space<hbm>>
      %dma_start3A_72 = arith.constant 0 : i32
      %dma_start3A_73 = tpu.memref_slice %arg3[%add3A_48, %dma_start3A_72] : memref<2560x128xi32, #tpu.memory_space<hbm>> -> memref<40x128xi32, #tpu.memory_space<hbm>>
      tpu.enqueue_dma source(%dma_start3A_73 : memref<40x128xi32, #tpu.memory_space<hbm>>) target(%arg8 : memref<40x128xi32, #tpu.memory_space<vmem>>) target_semaphore(%run_scoped3A : memref<!tpu.dma_semaphore, #tpu.memory_space<semaphore_mem>>)
      %dma_wait3A = arith.constant 0 : i32
      %dma_wait3A_74 = tpu.memref_slice %arg3[%add3A_48, %dma_wait3A] : memref<2560x128xi32, #tpu.memory_space<hbm>> -> memref<40x128xi32, #tpu.memory_space<hbm>>
      %dma_wait3A_75 = arith.constant 0 : i32
      %dma_wait3A_76 = tpu.memref_slice %arg3[%add3A_48, %dma_wait3A_75] : memref<2560x128xi32, #tpu.memory_space<hbm>> -> memref<40x128xi32, #tpu.memory_space<hbm>>
      tpu.wait_dma2 semaphore(%run_scoped3A : memref<!tpu.dma_semaphore, #tpu.memory_space<semaphore_mem>>) src(%dma_wait3A_76 : memref<40x128xi32, #tpu.memory_space<hbm>>) dst(%arg8 : memref<40x128xi32, #tpu.memory_space<vmem>>)
      tpu.yield
    }) : () -> ()
    %dma_start3A_49 = arith.constant 0 : i32
    %dma_start3A_50 = arith.constant 0 : i32
    %dma_start3A_51 = tpu.memref_slice %arg7[%dma_start3A_49, %dma_start3A_50] : memref<40x128xi32, #tpu.memory_space<vmem>> -> memref<1x128xi32, #tpu.memory_space<vmem>>
    %dma_start3A_52 = tpu.memref_squeeze %dma_start3A_51 : memref<1x128xi32, #tpu.memory_space<vmem>> -> memref<128xi32, #tpu.memory_space<vmem>>
    %dma_start3A_53 = arith.constant 0 : i32
    %dma_start3A_54 = arith.constant 0 : i32
    %dma_start3A_55 = tpu.memref_slice %arg4[%dma_start3A_53, %dma_start3A_54] : memref<10000x128xf32, #tpu.memory_space<hbm>> -> memref<10000x128xf32, #tpu.memory_space<hbm>>
    tpu.enqueue_indirect_dma source(%dma_start3A_55 : memref<10000x128xf32, #tpu.memory_space<hbm>>) target(%arg9 : memref<128x128xf32, #tpu.memory_space<vmem>>) offsets(%dma_start3A_52 : memref<128xi32, #tpu.memory_space<vmem>>) semaphore(%arg12 : memref<!tpu.dma_semaphore, #tpu.memory_space<semaphore_mem>>)
    %scan3A_56 = arith.constant 0 : i32
    %scan3A_57 = arith.constant 0 : i32
    %scan3A_58 = arith.constant 20 : i32
    %scan3A_59 = arith.addi %scan3A_57, %scan3A_58 : i32
    %scan3A_60 = arith.constant 1 : i32
    scf.for %scan3A_70 = %scan3A_57 to %scan3A_59 step %scan3A_60  : i32 {
      %mul3A_71 = arith.constant 2 : i32
      %mul3A_72 = arith.muli %mul3A_71, %scan3A_70 : i32
      %add3A_73 = arith.constant 1 : i32
      %add3A_74 = arith.addi %mul3A_72, %add3A_73 : i32
      %dma_start3A_75 = arith.constant 0 : i32
      %dma_start3A_76 = tpu.memref_slice %arg7[%add3A_74, %dma_start3A_75] : memref<40x128xi32, #tpu.memory_space<vmem>> -> memref<1x128xi32, #tpu.memory_space<vmem>>
      %dma_start3A_77 = tpu.memref_squeeze %dma_start3A_76 : memref<1x128xi32, #tpu.memory_space<vmem>> -> memref<128xi32, #tpu.memory_space<vmem>>
      %dma_start3A_78 = arith.constant 0 : i32
      %dma_start3A_79 = arith.constant 0 : i32
      %dma_start3A_80 = tpu.memref_slice %arg4[%dma_start3A_78, %dma_start3A_79] : memref<10000x128xf32, #tpu.memory_space<hbm>> -> memref<10000x128xf32, #tpu.memory_space<hbm>>
      tpu.enqueue_indirect_dma source(%dma_start3A_80 : memref<10000x128xf32, #tpu.memory_space<hbm>>) target(%arg10 : memref<128x128xf32, #tpu.memory_space<vmem>>) offsets(%dma_start3A_77 : memref<128xi32, #tpu.memory_space<vmem>>) semaphore(%arg13 : memref<!tpu.dma_semaphore, #tpu.memory_space<semaphore_mem>>)
      %mul3A_81 = arith.constant 2 : i32
      %mul3A_82 = arith.muli %mul3A_81, %scan3A_70 : i32
      %dma_wait3A = arith.constant 0 : i32
      %dma_wait3A_83 = tpu.memref_slice %arg7[%mul3A_82, %dma_wait3A] : memref<40x128xi32, #tpu.memory_space<vmem>> -> memref<1x128xi32, #tpu.memory_space<vmem>>
      %dma_wait3A_84 = tpu.memref_squeeze %dma_wait3A_83 : memref<1x128xi32, #tpu.memory_space<vmem>> -> memref<128xi32, #tpu.memory_space<vmem>>
      %dma_wait3A_85 = arith.constant 0 : i32
      %dma_wait3A_86 = arith.constant 0 : i32
      %dma_wait3A_87 = tpu.memref_slice %arg4[%dma_wait3A_85, %dma_wait3A_86] : memref<10000x128xf32, #tpu.memory_space<hbm>> -> memref<10000x128xf32, #tpu.memory_space<hbm>>
      tpu.wait_indirect_dma semaphore(%arg12 : memref<!tpu.dma_semaphore, #tpu.memory_space<semaphore_mem>>) src(%dma_wait3A_87 : memref<10000x128xf32, #tpu.memory_space<hbm>>) dst(%arg9 : memref<128x128xf32, #tpu.memory_space<vmem>>)
      %mul3A_88 = arith.constant 2 : i32
      %mul3A_89 = arith.muli %mul3A_88, %scan3A_70 : i32
      "tpu.region"() ({
        %run_scoped3A = tpu.sem_alloc : memref<!tpu.dma_semaphore, #tpu.memory_space<semaphore_mem>>
        %dma_start3A_108 = arith.constant 0 : i32
        %dma_start3A_109 = tpu.memref_slice %arg8[%mul3A_89, %dma_start3A_108] : memref<40x128xi32, #tpu.memory_space<vmem>> -> memref<1x128xi32, #tpu.memory_space<vmem>>
        %dma_start3A_110 = tpu.memref_squeeze %dma_start3A_109 : memref<1x128xi32, #tpu.memory_space<vmem>> -> memref<128xi32, #tpu.memory_space<vmem>>
        %dma_start3A_111 = arith.constant 0 : i32
        %dma_start3A_112 = arith.constant 0 : i32
        %dma_start3A_113 = tpu.memref_slice %arg11[%dma_start3A_111, %dma_start3A_112] : memref<10240x128xf32, #tpu.memory_space<vmem_shared>> -> memref<10240x128xf32, #tpu.memory_space<vmem_shared>>
        tpu.enqueue_indirect_dma source(%arg9 : memref<128x128xf32, #tpu.memory_space<vmem>>) target(%dma_start3A_113 : memref<10240x128xf32, #tpu.memory_space<vmem_shared>>) offsets(%dma_start3A_110 : memref<128xi32, #tpu.memory_space<vmem>>) semaphore(%run_scoped3A : memref<!tpu.dma_semaphore, #tpu.memory_space<semaphore_mem>>) {add = true}
        %dma_wait3A_114 = arith.constant 0 : i32
        %dma_wait3A_115 = tpu.memref_slice %arg8[%mul3A_89, %dma_wait3A_114] : memref<40x128xi32, #tpu.memory_space<vmem>> -> memref<1x128xi32, #tpu.memory_space<vmem>>
        %dma_wait3A_116 = tpu.memref_squeeze %dma_wait3A_115 : memref<1x128xi32, #tpu.memory_space<vmem>> -> memref<128xi32, #tpu.memory_space<vmem>>
        %dma_wait3A_117 = arith.constant 0 : i32
        %dma_wait3A_118 = arith.constant 0 : i32
        %dma_wait3A_119 = tpu.memref_slice %arg11[%dma_wait3A_117, %dma_wait3A_118] : memref<10240x128xf32, #tpu.memory_space<vmem_shared>> -> memref<10240x128xf32, #tpu.memory_space<vmem_shared>>
        tpu.wait_indirect_dma semaphore(%run_scoped3A : memref<!tpu.dma_semaphore, #tpu.memory_space<semaphore_mem>>) src(%arg9 : memref<128x128xf32, #tpu.memory_space<vmem>>) dst(%dma_wait3A_119 : memref<10240x128xf32, #tpu.memory_space<vmem_shared>>)
        tpu.yield
      }) : () -> ()
      %lt3A = arith.constant 19 : i32
      %lt3A_90 = arith.cmpi slt, %scan3A_70, %lt3A : i32
      %convert_element_type3A_91 = arith.extui %lt3A_90 : i1 to i32
      %cond3A_92 = arith.constant 0 : i32
      %cond3A_93 = arith.cmpi ne, %convert_element_type3A_91, %cond3A_92 : i32
      scf.if %cond3A_93 {
        %mul3A_108 = arith.constant 2 : i32
        %mul3A_109 = arith.muli %mul3A_108, %scan3A_70 : i32
        %add3A_110 = arith.constant 2 : i32
        %add3A_111 = arith.addi %mul3A_109, %add3A_110 : i32
        %dma_start3A_112 = arith.constant 0 : i32
        %dma_start3A_113 = tpu.memref_slice %arg7[%add3A_111, %dma_start3A_112] : memref<40x128xi32, #tpu.memory_space<vmem>> -> memref<1x128xi32, #tpu.memory_space<vmem>>
        %dma_start3A_114 = tpu.memref_squeeze %dma_start3A_113 : memref<1x128xi32, #tpu.memory_space<vmem>> -> memref<128xi32, #tpu.memory_space<vmem>>
        %dma_start3A_115 = arith.constant 0 : i32
        %dma_start3A_116 = arith.constant 0 : i32
        %dma_start3A_117 = tpu.memref_slice %arg4[%dma_start3A_115, %dma_start3A_116] : memref<10000x128xf32, #tpu.memory_space<hbm>> -> memref<10000x128xf32, #tpu.memory_space<hbm>>
        tpu.enqueue_indirect_dma source(%dma_start3A_117 : memref<10000x128xf32, #tpu.memory_space<hbm>>) target(%arg9 : memref<128x128xf32, #tpu.memory_space<vmem>>) offsets(%dma_start3A_114 : memref<128xi32, #tpu.memory_space<vmem>>) semaphore(%arg12 : memref<!tpu.dma_semaphore, #tpu.memory_space<semaphore_mem>>)
      } else {
      }
      %mul3A_94 = arith.constant 2 : i32
      %mul3A_95 = arith.muli %mul3A_94, %scan3A_70 : i32
      %add3A_96 = arith.constant 1 : i32
      %add3A_97 = arith.addi %mul3A_95, %add3A_96 : i32
      %dma_wait3A_98 = arith.constant 0 : i32
      %dma_wait3A_99 = tpu.memref_slice %arg7[%add3A_97, %dma_wait3A_98] : memref<40x128xi32, #tpu.memory_space<vmem>> -> memref<1x128xi32, #tpu.memory_space<vmem>>
      %dma_wait3A_100 = tpu.memref_squeeze %dma_wait3A_99 : memref<1x128xi32, #tpu.memory_space<vmem>> -> memref<128xi32, #tpu.memory_space<vmem>>
      %dma_wait3A_101 = arith.constant 0 : i32
      %dma_wait3A_102 = arith.constant 0 : i32
      %dma_wait3A_103 = tpu.memref_slice %arg4[%dma_wait3A_101, %dma_wait3A_102] : memref<10000x128xf32, #tpu.memory_space<hbm>> -> memref<10000x128xf32, #tpu.memory_space<hbm>>
      tpu.wait_indirect_dma semaphore(%arg13 : memref<!tpu.dma_semaphore, #tpu.memory_space<semaphore_mem>>) src(%dma_wait3A_103 : memref<10000x128xf32, #tpu.memory_space<hbm>>) dst(%arg10 : memref<128x128xf32, #tpu.memory_space<vmem>>)
      %mul3A_104 = arith.constant 2 : i32
      %mul3A_105 = arith.muli %mul3A_104, %scan3A_70 : i32
      %add3A_106 = arith.constant 1 : i32
      %add3A_107 = arith.addi %mul3A_105, %add3A_106 : i32
      "tpu.region"() ({
        %run_scoped3A = tpu.sem_alloc : memref<!tpu.dma_semaphore, #tpu.memory_space<semaphore_mem>>
        %dma_start3A_108 = arith.constant 0 : i32
        %dma_start3A_109 = tpu.memref_slice %arg8[%add3A_107, %dma_start3A_108] : memref<40x128xi32, #tpu.memory_space<vmem>> -> memref<1x128xi32, #tpu.memory_space<vmem>>
        %dma_start3A_110 = tpu.memref_squeeze %dma_start3A_109 : memref<1x128xi32, #tpu.memory_space<vmem>> -> memref<128xi32, #tpu.memory_space<vmem>>
        %dma_start3A_111 = arith.constant 0 : i32
        %dma_start3A_112 = arith.constant 0 : i32
        %dma_start3A_113 = tpu.memref_slice %arg11[%dma_start3A_111, %dma_start3A_112] : memref<10240x128xf32, #tpu.memory_space<vmem_shared>> -> memref<10240x128xf32, #tpu.memory_space<vmem_shared>>
        tpu.enqueue_indirect_dma source(%arg10 : memref<128x128xf32, #tpu.memory_space<vmem>>) target(%dma_start3A_113 : memref<10240x128xf32, #tpu.memory_space<vmem_shared>>) offsets(%dma_start3A_110 : memref<128xi32, #tpu.memory_space<vmem>>) semaphore(%run_scoped3A : memref<!tpu.dma_semaphore, #tpu.memory_space<semaphore_mem>>) {add = true}
        %dma_wait3A_114 = arith.constant 0 : i32
        %dma_wait3A_115 = tpu.memref_slice %arg8[%add3A_107, %dma_wait3A_114] : memref<40x128xi32, #tpu.memory_space<vmem>> -> memref<1x128xi32, #tpu.memory_space<vmem>>
        %dma_wait3A_116 = tpu.memref_squeeze %dma_wait3A_115 : memref<1x128xi32, #tpu.memory_space<vmem>> -> memref<128xi32, #tpu.memory_space<vmem>>
        %dma_wait3A_117 = arith.constant 0 : i32
        %dma_wait3A_118 = arith.constant 0 : i32
        %dma_wait3A_119 = tpu.memref_slice %arg11[%dma_wait3A_117, %dma_wait3A_118] : memref<10240x128xf32, #tpu.memory_space<vmem_shared>> -> memref<10240x128xf32, #tpu.memory_space<vmem_shared>>
        tpu.wait_indirect_dma semaphore(%run_scoped3A : memref<!tpu.dma_semaphore, #tpu.memory_space<semaphore_mem>>) src(%arg10 : memref<128x128xf32, #tpu.memory_space<vmem>>) dst(%dma_wait3A_119 : memref<10240x128xf32, #tpu.memory_space<vmem_shared>>)
        tpu.yield
      }) : () -> ()
    }
    %scan3A_61 = arith.constant 20 : i32
    "tpu.trace_stop"() : () -> ()
    "tpu.trace_start"() <{level = 10 : i32, message = "post_barrier"}> : () -> ()
    %barrier3A_62 = arith.constant 0 : index
    tpu.barrier barrier_id(%barrier3A_62)
    %eq3A = arith.constant 0 : i32
    "tpu.trace_stop"() : () -> ()
    %eq3A_63 = arith.cmpi eq, %arg0, %eq3A : i32
    %convert_element_type3A = arith.extui %eq3A_63 : i1 to i32
    %cond3A = arith.constant 0 : i32
    %cond3A_64 = arith.cmpi ne, %convert_element_type3A, %cond3A : i32
    scf.if %cond3A_64 {
      %mul3A_70 = arith.constant 640 : i32
      %mul3A_71 = arith.muli %arg1, %mul3A_70 : i32
      %mul3A_72 = arith.constant 640 : i32
      %mul3A_73 = arith.muli %arg1, %mul3A_72 : i32
      "tpu.region"() ({
        %run_scoped3A = tpu.sem_alloc : memref<!tpu.dma_semaphore, #tpu.memory_space<semaphore_mem>>
        %dma_start3A_74 = arith.constant 0 : i32
        %dma_start3A_75 = tpu.memref_slice %arg5[%mul3A_73, %dma_start3A_74] : memref<10240x128xf32, #tpu.memory_space<hbm>> -> memref<640x128xf32, #tpu.memory_space<hbm>>
        %dma_start3A_76 = arith.constant 0 : i32
        %dma_start3A_77 = tpu.memref_slice %arg11[%mul3A_71, %dma_start3A_76] : memref<10240x128xf32, #tpu.memory_space<vmem_shared>> -> memref<640x128xf32, #tpu.memory_space<vmem_shared>>
        tpu.enqueue_dma source(%dma_start3A_77 : memref<640x128xf32, #tpu.memory_space<vmem_shared>>) target(%dma_start3A_75 : memref<640x128xf32, #tpu.memory_space<hbm>>) target_semaphore(%run_scoped3A : memref<!tpu.dma_semaphore, #tpu.memory_space<semaphore_mem>>)
        %dma_wait3A = arith.constant 0 : i32
        %dma_wait3A_78 = tpu.memref_slice %arg5[%mul3A_73, %dma_wait3A] : memref<10240x128xf32, #tpu.memory_space<hbm>> -> memref<640x128xf32, #tpu.memory_space<hbm>>
        %dma_wait3A_79 = arith.constant 0 : i32
        %dma_wait3A_80 = tpu.memref_slice %arg11[%mul3A_71, %dma_wait3A_79] : memref<10240x128xf32, #tpu.memory_space<vmem_shared>> -> memref<640x128xf32, #tpu.memory_space<vmem_shared>>
        tpu.wait_dma2 semaphore(%run_scoped3A : memref<!tpu.dma_semaphore, #tpu.memory_space<semaphore_mem>>) src(%dma_wait3A_80 : memref<640x128xf32, #tpu.memory_space<vmem_shared>>) dst(%dma_wait3A_78 : memref<640x128xf32, #tpu.memory_space<hbm>>)
        tpu.yield
      }) : () -> ()
    } else {
    }
    %eq3A_65 = arith.constant 1 : i32
    %eq3A_66 = arith.cmpi eq, %arg0, %eq3A_65 : i32
    %convert_element_type3A_67 = arith.extui %eq3A_66 : i1 to i32
    %cond3A_68 = arith.constant 0 : i32
    %cond3A_69 = arith.cmpi ne, %convert_element_type3A_67, %cond3A_68 : i32
    scf.if %cond3A_69 {
      %mul3A_70 = arith.constant 640 : i32
      %mul3A_71 = arith.muli %arg1, %mul3A_70 : i32
      %mul3A_72 = arith.constant 640 : i32
      %mul3A_73 = arith.muli %arg1, %mul3A_72 : i32
      "tpu.region"() ({
        %run_scoped3A = tpu.sem_alloc : memref<!tpu.dma_semaphore, #tpu.memory_space<semaphore_mem>>
        %dma_start3A_74 = arith.constant 0 : i32
        %dma_start3A_75 = tpu.memref_slice %arg6[%mul3A_73, %dma_start3A_74] : memref<10240x128xf32, #tpu.memory_space<hbm>> -> memref<640x128xf32, #tpu.memory_space<hbm>>
        %dma_start3A_76 = arith.constant 0 : i32
        %dma_start3A_77 = tpu.memref_slice %arg11[%mul3A_71, %dma_start3A_76] : memref<10240x128xf32, #tpu.memory_space<vmem_shared>> -> memref<640x128xf32, #tpu.memory_space<vmem_shared>>
        tpu.enqueue_dma source(%dma_start3A_77 : memref<640x128xf32, #tpu.memory_space<vmem_shared>>) target(%dma_start3A_75 : memref<640x128xf32, #tpu.memory_space<hbm>>) target_semaphore(%run_scoped3A : memref<!tpu.dma_semaphore, #tpu.memory_space<semaphore_mem>>)
        %dma_wait3A = arith.constant 0 : i32
        %dma_wait3A_78 = tpu.memref_slice %arg6[%mul3A_73, %dma_wait3A] : memref<10240x128xf32, #tpu.memory_space<hbm>> -> memref<640x128xf32, #tpu.memory_space<hbm>>
        %dma_wait3A_79 = arith.constant 0 : i32
        %dma_wait3A_80 = tpu.memref_slice %arg11[%mul3A_71, %dma_wait3A_79] : memref<10240x128xf32, #tpu.memory_space<vmem_shared>> -> memref<640x128xf32, #tpu.memory_space<vmem_shared>>
        tpu.wait_dma2 semaphore(%run_scoped3A : memref<!tpu.dma_semaphore, #tpu.memory_space<semaphore_mem>>) src(%dma_wait3A_80 : memref<640x128xf32, #tpu.memory_space<vmem_shared>>) dst(%dma_wait3A_78 : memref<640x128xf32, #tpu.memory_space<hbm>>)
        tpu.yield
      }) : () -> ()
    } else {
    }
    return
  }
}

module attributes {stable_mosaic.version = 14 : i64} {
  func.func @_add_body(%arg0: i32, %arg1: memref<1000x128xf32, #tpu.memory_space<vmem>>, %arg2: memref<1000x128xf32, #tpu.memory_space<vmem>>, %arg3: memref<1000x128xf32, #tpu.memory_space<vmem>>) attributes {dimension_semantics = [#tpu.dimension_semantics<arbitrary>], iteration_bounds = array<i64: 10>, scalar_prefetch = 0 : i64, scratch_operands = 0 : i64, tpu.core_type = #tpu.core_type<tc>, window_params = [{transform_indices = @transform_0, window_bounds = array<i64: 1000, 128>}, {transform_indices = @transform_1, window_bounds = array<i64: 1000, 128>}, {transform_indices = @transform_2, window_bounds = array<i64: 1000, 128>}]} {
    %get3A = arith.constant 0 : index
    %get3A_0 = arith.constant 0 : index
    %get3A_1 = vector.load %arg1[%get3A, %get3A_0] : memref<1000x128xf32, #tpu.memory_space<vmem>>, vector<1000x128xf32>
    %get3A_2 = arith.constant 0 : index
    %get3A_3 = arith.constant 0 : index
    %get3A_4 = vector.load %arg2[%get3A_2, %get3A_3] : memref<1000x128xf32, #tpu.memory_space<vmem>>, vector<1000x128xf32>
    %add3A = arith.addf %get3A_1, %get3A_4 : vector<1000x128xf32>
    %swap3A = arith.constant 0 : index
    %swap3A_5 = arith.constant 0 : index
    %swap3A_6 = vector.load %arg3[%swap3A, %swap3A_5] : memref<1000x128xf32, #tpu.memory_space<vmem>>, vector<1000x128xf32>
    tpu.vector_store %arg3[%swap3A, %swap3A_5], %add3A {strides = array<i32>} : memref<1000x128xf32, #tpu.memory_space<vmem>>, vector<1000x128xf32>,
    return
  }
  func.func @transform_0(%arg0: i32) -> (i32, i32) {
    %c0_i32 = arith.constant 0 : i32
    %c0_i32_0 = arith.constant 0 : i32
    return %arg0, %c0_i32 : i32, i32
  }
  func.func @transform_1(%arg0: i32) -> (i32, i32) {
    %c0_i32 = arith.constant 0 : i32
    %c0_i32_0 = arith.constant 0 : i32
    return %arg0, %c0_i32 : i32, i32
  }
  func.func @transform_2(%arg0: i32) -> (i32, i32) {
    %c0_i32 = arith.constant 0 : i32
    %c0_i32_0 = arith.constant 0 : i32
    return %arg0, %c0_i32 : i32, i32
  }
}

module attributes {stable_mosaic.version = 14 : i64} {
  func.func @_mlp_body(%arg0: i32, %arg1: memref<1000x128xf32, #tpu.memory_space<vmem>>, %arg2: memref<128x128xf32, #tpu.memory_space<vmem>>, %arg3: memref<1x128xf32, #tpu.memory_space<vmem>>, %arg4: memref<1000x128xf32, #tpu.memory_space<vmem>>) attributes {dimension_semantics = [#tpu.dimension_semantics<arbitrary>], iteration_bounds = array<i64: 10>, scalar_prefetch = 0 : i64, scratch_operands = 0 : i64, tpu.core_type = #tpu.core_type<tc>, window_params = [{transform_indices = @transform_0, window_bounds = array<i64: 1000, 128>}, {pipeline_mode = #tpu.pipeline_mode<synchronous>, transform_indices = @transform_1, window_bounds = array<i64: 128, 128>}, {pipeline_mode = #tpu.pipeline_mode<synchronous>, transform_indices = @transform_2, window_bounds = array<i64: 1, 128>}, {transform_indices = @transform_3, window_bounds = array<i64: 1000, 128>}]} {
    %get3A = arith.constant 0 : index
    %get3A_0 = arith.constant 0 : index
    %get3A_1 = vector.load %arg1[%get3A, %get3A_0] : memref<1000x128xf32, #tpu.memory_space<vmem>>, vector<1000x128xf32>
    %get3A_2 = arith.constant 0 : index
    %get3A_3 = arith.constant 0 : index
    %get3A_4 = vector.load %arg2[%get3A_2, %get3A_3] : memref<128x128xf32, #tpu.memory_space<vmem>>, vector<128x128xf32>
    %dot_general3A = arith.constant dense<0.000000e+00> : vector<1000x128xf32>
    %dot_general3A_5 = tpu.matmul %get3A_1, %get3A_4, %dot_general3A {dimension_numbers = #tpu.dot_dimension_numbers<[1], [1], [0], [0], [0, 0, 1, 0], [], []>, transpose_lhs_hint = false} : vector<1000x128xf32>, vector<128x128xf32>, vector<1000x128xf32> -> vector<1000x128xf32>
    %get3A_6 = arith.constant 0 : index
    %get3A_7 = arith.constant 0 : index
    %get3A_8 = vector.load %arg3[%get3A_6, %get3A_7] : memref<1x128xf32, #tpu.memory_space<vmem>>, vector<1x128xf32>
    %add3A = vector.broadcast %get3A_8 : vector<1x128xf32> to vector<1000x128xf32>
    %add3A_9 = arith.addf %dot_general3A_5, %add3A : vector<1000x128xf32>
    %swap3A = arith.constant 0 : index
    %swap3A_10 = arith.constant 0 : index
    %swap3A_11 = vector.load %arg4[%swap3A, %swap3A_10] : memref<1000x128xf32, #tpu.memory_space<vmem>>, vector<1000x128xf32>
    tpu.vector_store %arg4[%swap3A, %swap3A_10], %add3A_9 {strides = array<i32>} : memref<1000x128xf32, #tpu.memory_space<vmem>>, vector<1000x128xf32>,
    return
  }
  func.func @transform_0(%arg0: i32) -> (i32, i32) {
    %c0_i32 = arith.constant 0 : i32
    %c0_i32_0 = arith.constant 0 : i32
    return %arg0, %c0_i32 : i32, i32
  }
  func.func @transform_1(%arg0: i32) -> (i32, i32) {
    %c0_i32 = arith.constant 0 : i32
    %c0_i32_0 = arith.constant 0 : i32
    %c0_i32_1 = arith.constant 0 : i32
    return %c0_i32, %c0_i32_0 : i32, i32
  }
  func.func @transform_2(%arg0: i32) -> (i32, i32) {
    %c0_i32 = arith.constant 0 : i32
    %c0_i32_0 = arith.constant 0 : i32
    %c0_i32_1 = arith.constant 0 : i32
    return %c0_i32, %c0_i32_0 : i32, i32
  }
  func.func @transform_3(%arg0: i32) -> (i32, i32) {
    %c0_i32 = arith.constant 0 : i32
    %c0_i32_0 = arith.constant 0 : i32
    return %arg0, %c0_i32 : i32, i32
  }
}

</mosaic_0001>

<sc_bundles>
// kernel: kernel.5.cloned.1.call-start
scs
__scs_entry_jumppad:
0x0: {  	(pc) =	sbr.rel $0x88, $3  }
0x1: {  	(tag) =	ssettag $0x0;
	lr =	simm.s32 $0x1  }
0x2: {  	[smem:$0x3F9D] =	sst lr;
	_ =	strace $0xD0000000  }
0x3: {  	_ = 	snop  }
0x4: {  	_ = 	snop  }
0x5: {  	_ = 	snop  }
0x6: {  	_ = 	snop  }
0x7: {  	_ = 	snop  }
__scs_overlays_trampoline_lowered:
0x8: {  	[smem:$0x3FAC] =	sst s0  }
0x9: {  	[smem:$0x3FAD] =	sst s1  }
0xa: {  	[smem:$0x3FAE] =	sst s2  }
0xb: {  	[smem:$0x3FAF] =	sst s3  }
0xc: {  	[smem:$0x3FB0] =	sst s4  }
0xd: {  	[smem:$0x3FB1] =	sst s5  }
0xe: {  	[smem:$0x3FB2] =	sst s6  }
0xf: {  	[smem:$0x3FB3] =	sst s7  }
0x10: {  	[smem:$0x3FB4] =	sst s8  }
0x11: {  	[smem:$0x3FB5] =	sst s9;
	s0 =	simm.s32 @!p0 $0x0  }
0x12: {  	s1 =	sld [smem:$0x3F9B];
	s0 =	simm.s32 @p0 $0x1  }
0x13: {  	[smem:$0x3FB6] =	sst s0;
	s0 =	simm.s32 @!p1 $0x0  }
0x14: {  	s2 =	sld [smem:$0x3F9A];
	s0 =	simm.s32 @p1 $0x1  }
0x15: {  	[smem:$0x3FB7] =	sst s0;
	s0 =	simm.s32 @!p2 $0x0  }
0x16: {  	s3 =	sld [smem:$0x3FDB];
	s0 =	simm.s32 @p2 $0x1  }
0x17: {  	s4 =	simm.s32 $0x1BF5;
	[smem:$0x3FB9] =	sst s0  }
0x18: {  	s0 =	sld [smem:$0x3F9C];
	_ =	swait.ge [sflag:s4], $0x0  }
0x19: {  	s7 =	sld [smem:$0x3F9D]  }
0x1a: {  	s8 =	sadd.s32 $0xFFFFE003, lr  }
0x1b: {  	s9 =	sadd.s32 $0xFFFFFEF7, lr;
	s5 =	simm.s32 $0xFFFFFFFF;
	p2 =	slt.u32 s8, $0xFFFFF086  }
0x1c: {  	p1 =	slt.u32 s9, $0xF7A;
	s5 =	simm.s32 @!p2 $0x0  }
0x1d: {  	s5 =	simm.s32 @p1 $0x1;
	p0 =	seq.s32 s7, s2  }
0x1e: {  	s7 =	smul.u32 @!p0 $0xF7A, s2;
	p2 =	seq.s32 @!p0 s5, $0x0  }
0x1f: {  	s9 =	smul.u32 $0xF7A, s1;
	s8 =	simm.s32 @!p0 $0x1BF5;
	p2 =	por !p2, p0  }
0x20: {  	[sflag:s8] =	ssyncset.s32 @!p0 $0xFFFFF086;
	s6 =	sadd.s32 @!p0 s3, s7;
	s7 =	simm.s32 @!p0 $0x108  }
0x21: {  	s3 =	sadd.s32 s3, s9;
	s6 =	sadd.s32 @!p0 $0x88, s6;
	s7 =	simm.s32 @p2 $0x1082  }
0x22: {  	[simem:s7], [sflag:s8] =	dma.local @!p0 [hbm:s6], $0xF7A  }
0x23: {  	s9 =	sor.u32 $0xD0000000, s2;
	s6 =	simm.s32 $0x108;
	_ =	swait.ge @!p0 [sflag:s8], $0x0  }
0x24: {  	s3 =	sadd.s32 $0x88, s3;
	s6 =	simm.s32 @!p1 $0x1082;
	[sflag:s4] =	ssyncset.s32 $0xFFFFF086  }
0x25: {  	[simem:s6], [sflag:s4] =	dma.local [hbm:s3], $0xF7A  }
0x26: {  	[smem:$0x3F9D] =	sst s1;
	(tag) =	ssettag s2;
	_ =	strace s9  }
0x27: {  	s1 =	sld [smem:$0x3FAD]  }
0x28: {  	s2 =	sld [smem:$0x3FAE]  }
0x29: {  	s4 =	sld [smem:$0x3FB0]  }
0x2a: {  	p0 =	seq.s32 s5, $0x0;
	s5 =	sld [smem:$0x3FB1]  }
0x2b: {  	s6 =	sld [smem:$0x3FB2]  }
0x2c: {  	s7 =	sld [smem:$0x3FB3]  }
0x2d: {  	s3 =	simm.s32 $0x108;
	s8 =	sld [smem:$0x3FB4]  }
0x2e: {  	s3 =	simm.s32 @!p0 $0x1082;
	s9 =	sld [smem:$0x3FB5]  }
0x2f: {  	lr =	sadd.s32 s0, s3;
	s0 =	sld [smem:$0x3FAC]  }
0x30: {  	s3 =	sld [smem:$0x3FAF]  }
0x31: {  	[smem:$0x3FB8] =	sst s10  }
0x32: {  	s10 =	sld [smem:$0x3FB6];
	_ =	sdelay $0x3  }
0x33: {  	p0 =	seq.s32 s10, $0x1;
	s10 =	sld [smem:$0x3FB8];
	_ =	sdelay $0x3  }
0x34: {  	[smem:$0x3FB8] =	sst s10  }
0x35: {  	s10 =	sld [smem:$0x3FB7];
	_ =	sdelay $0x3  }
0x36: {  	p1 =	seq.s32 s10, $0x1;
	s10 =	sld [smem:$0x3FB8];
	_ =	sdelay $0x3  }
0x37: {  	[smem:$0x3FB8] =	sst s10  }
0x38: {  	s10 =	sld [smem:$0x3FB9]  }
0x39: {  	_ = 	snop;
	(pc) =	sbr.ind lr, $3  }
0x3a: {  	_ = 	snop  }
0x3b: {  	_ = 	snop  }
0x3c: {  	p2 =	seq.s32 s10, $0x1;
	s10 =	sld [smem:$0x3FB8]  }
0x3d: {  	_ =	shalt  }
0x3e: {  	_ =	shalt  }
0x3f: {  	_ =	shalt  }
0x40: {  	_ =	shalt  }
0x41: {  	_ =	shalt  }
0x42: {  	_ =	shalt  }
0x43: {  	_ =	shalt  }
0x44: {  	_ =	shalt  }
0x45: {  	_ =	shalt  }
0x46: {  	_ =	shalt  }
0x47: {  	_ =	shalt  }
0x48: {  	_ =	shalt  }
0x49: {  	_ =	shalt  }
0x4a: {  	_ =	shalt  }
0x4b: {  	_ =	shalt  }
0x4c: {  	_ =	shalt  }
0x4d: {  	_ =	shalt  }
0x4e: {  	_ =	shalt  }
0x4f: {  	_ =	shalt  }
0x50: {  	_ =	shalt  }
0x51: {  	_ =	shalt  }
0x52: {  	_ =	shalt  }
0x53: {  	_ =	shalt  }
0x54: {  	_ =	shalt  }
0x55: {  	_ =	shalt  }
0x56: {  	_ =	shalt  }
0x57: {  	_ =	shalt  }
0x58: {  	_ =	shalt  }
0x59: {  	_ =	shalt  }
0x5a: {  	_ =	shalt  }
0x5b: {  	_ =	shalt  }
0x5c: {  	_ =	shalt  }
0x5d: {  	_ =	shalt  }
0x5e: {  	_ =	shalt  }
0x5f: {  	_ =	shalt  }
0x60: {  	_ =	shalt  }
0x61: {  	_ =	shalt  }
0x62: {  	_ =	shalt  }
0x63: {  	_ =	shalt  }
0x64: {  	_ =	shalt  }
0x65: {  	_ =	shalt  }
0x66: {  	_ =	shalt  }
0x67: {  	_ =	shalt  }
0x68: {  	_ =	shalt  }
0x69: {  	_ =	shalt  }
0x6a: {  	_ =	shalt  }
0x6b: {  	_ =	shalt  }
0x6c: {  	_ =	shalt  }
0x6d: {  	_ =	shalt  }
0x6e: {  	_ =	shalt  }
0x6f: {  	_ =	shalt  }
0x70: {  	_ =	shalt  }
0x71: {  	_ =	shalt  }
0x72: {  	_ =	shalt  }
0x73: {  	_ =	shalt  }
0x74: {  	_ =	shalt  }
0x75: {  	_ =	shalt  }
0x76: {  	_ =	shalt  }
0x77: {  	_ =	shalt  }
0x78: {  	_ =	shalt  }
0x79: {  	_ =	shalt  }
0x7a: {  	_ =	shalt  }
0x7b: {  	_ =	shalt  }
0x7c: {  	_ =	shalt  }
0x7d: {  	_ =	shalt  }
0x7e: {  	_ =	shalt  }
0x7f: {  	_ =	shalt  }
0x80: {  	_ =	shalt  }
0x81: {  	_ =	shalt  }
0x82: {  	_ =	shalt  }
0x83: {  	_ =	shalt  }
0x84: {  	_ =	shalt  }
0x85: {  	_ =	shalt  }
0x86: {  	_ =	shalt  }
0x87: {  	_ =	shalt  }
.Lfunc_end0:
.L_simem_size_0:
called_computation_lowered:
.L_overlay_start_0:
0x88: {  	s2 =	sld [smem:$0x3FD9]  }
0x89: {  	s3 =	sld [smem:$0x3FFE];
	_ =	sdelay $0x1  }
0x8a: {  	s1 =	srdreg.scid  }
0x8b: {  	s0 =	sand.u32 $0x1, s1  }
0x8c: {  	s17 =	sshll.u32 s0, $0xA;
	s2 =	sadd.s32 s3, s2  }
0x8d: {  	s2 =	sadd.s32 s2, s17  }
0x8e: {  	[smem:$0x3FC4] =	sst s2  }
0x8f: {  	_ = 	snop  }
0x90: {  	s2 =	sld [smem:$0x3FD0];
	(tm) =	ssettm $0x1  }
0x91: {  	s18 =	sld [smem:$0x3FFB];
	_ =	sdelay $0x3  }
0x92: {  	_ =	strace s18  }
0x93: {  	s3 =	sld [smem:$0x3FFC];
	_ =	sdelay $0x3  }
0x94: {  	_ =	strace s3  }
0x95: {  	s3 =	sld [smem:$0x3FFD];
	_ =	sdelay $0x3  }
0x96: {  	_ =	strace s3  }
0x97: {  	_ =	strace $0x8FFFFFFF  }
0x98: {  	s19 =	sld [smem:$0x3FDB];
	_ =	sdelay $0x1  }
0x99: {  	s4 =	simm.s32 $_scs_section_size  }
0x9a: {  	s5 =	simm.s32 $_size__tile_overlayer_lowered;
	s6 =	simm.s32 $_tile_overlayer_lowered  }
0x9b: {  	s22 =	simm.s32 $0x1BFF;
	s21 =	sshll.u32 s6, $0x1;
	s3 =	sadd.s32 s4, s19  }
0x9c: {  	s7 =	simm.s32 $0x0;
	s20 =	sshll.u32 s5, $0x1;
	s5 =	sadd.s32 s21, s3  }
0x9d: {  	[timem:s7], [sflag:s22] =	dma.local [hbm:s5], s20  }
0x9e: {  	_ =	swait.ge [sflag:s22], s20  }
0x9f: {  	s4 =	ssub.s32 $0x0, s20;
	[sflag:s22] =	ssyncset.done $0x0  }
0xa0: {  	[sflag:s22] =	ssyncadd.s32 s4;
	_ =	sdelay $0x1  }
0xa1: {  	s23 =	simm.s32 $0x1B8B  }
0xa2: {  	_ =	swait.ge [sflag:s23], $0x1  }
0xa3: {  	[sflag:s23] =	ssyncset.done $0x0  }
0xa4: {  	s25 =	simm.s32 $0x1B8E;
	s24 =	sld [smem:$0x3FFE];
	[sflag:s23] =	ssyncadd.s32 $0xFFFFFFFF  }
0xa5: {  	s26 =	simm.s32 $execute0_lowered;
	[smem:$0x3FD2] =	sst s25  }
0xa6: {  	s5 =	sshll.u32 s26, $0x1;
	_ =	strace $0x80000046;
	[dreg:$0x1] =	wrdreg $0xFFFFFFFF  }
0xa7: {  	s28 =	simm.s32 $_size_execute0_lowered;
	s3 =	sadd.s32 s3, s5;
	[dreg:$0x0] =	wrdreg $0x0  }
0xa8: {  	s5 =	sshll.u32 s28, $0x1;
	[dreg:$0x2] =	wrdreg s3  }
0xa9: {  	[dreg:$0x3] =	wrdreg s5  }
0xaa: {  	[dreg:$0x4] =	wrdreg $0xC0  }
0xab: {  	_ =	task [dreg:s7], $0x5FFFF  }
0xac: {  	[dreg:$0x1] =	wrdreg $0xFFFFFFFF  }
0xad: {  	[dreg:$0x0] =	wrdreg $0x60  }
0xae: {  	[dreg:$0x2] =	wrdreg s24  }
0xaf: {  	[dreg:$0x3] =	wrdreg s2  }
0xb0: {  	[dreg:$0x4] =	wrdreg $0xA8000  }
0xb1: {  	[dreg:$0x5] =	wrdreg $0x9  }
0xb2: {  	_ =	task.clear_ibuf [dreg:s7], $0x6FFFF;
	_ =	strace $0x90000046  }
0xb3: {  	s29 =	simm.s32 $0x9;
	_ =	strace $0x8000004C  }
0xb4: {  	_ =	swait.ge [sflag:s29], $0x1  }
0xb5: {  	[sflag:s29] =	ssyncadd.s32 $0xFFFFFFFF  }
0xb6: {  	_ =	strace $0x9000004C  }
0xb7: {  	_ =	sfence  }
0xb8: {  	s30 =	sld [smem:$0x0];
	_ =	sdelay $0x2  }
0xb9: {  	s31 =	sshll.u32 s1, $0xD;
	s1 =	sshrl.u32 s1, $0x2  }
0xba: {  	s3 =	sand.u32 $0x4000, s31;
	s1 =	sadd.s32 s1, s30  }
0xbb: {  	s0 =	sor.u32 s3, s0;
	s1 =	sshll.u32 s1, $0x11  }
0xbc: {  	s0 =	sor.u32 s1, s0  }
0xbd: {  	s0 =	sadd.s32 $0x8F2B, s0  }
0xbe: {  	[sflag:s0] =	ssyncadd.remote.s32 $0x1  }
0xbf: {  	_ =	sfence.sel $0xFFFF  }
0xc0: {  	[dreg:$0x0] =	wrdreg $0xFFFFFFFF;
	(pc) =	sbr.abs _section_cstart, $3  }
0xc1: {  	[dreg:$0x1] =	wrdreg $0xFFFFFFFF  }
0xc2: {  	_ =	task.clear_ibuf [dreg:s7], $0x2FFFF;
	_ =	strace $0x9FFFFFFF  }
0xc3: {  	(tm) =	ssettm $0x7FFFFFFF  }
tec
execute0_lowered:
.L_overlay_start_1:
0x0: {  	(tag) =	ssettag $0x1  }
0x1: {  	s14 =	rddreg [dreg:$0x0]  }
0x2: {  	s1 =	rddreg [dreg:$0x1]  }
0x3: {  	s2 =	rddreg [dreg:$0x2]  }
0x4: {  	s0 =	rddreg [dreg:$0x3];
	s4 =	simm.s32 $0x0;
	s3 =	srdreg.scid  }
0x5: {  	s18 =	simm.s32 $0x3D200;
	s20 =	simm.s32 $0x6800;
	s21 =	simm.s32 $0x1  }
0x6: {  	s22 =	simm.s32 $0x2;
	s23 =	simm.s32 $0x1380;
	s24 =	simm.s32 $0x2700  }
0x7: {  	s25 =	simm.s32 $0x2780;
	[smem:$0x7FF] =	sst s4;
	s12 =	sand.u32 $0x1, s3  }
0x8: {  	s3 =	stileid.u32;
	s13 =	sadd.s32 $0x1200, s14;
	s5 =	smul.u32 $0x500, s12  }
0x9: {  	s15 =	sadd.s32 $0xB200, s14;
	_ =	strace $0x80000047;
	s6 =	smul.u32 $0x50000, s3  }
0xa: {  	s7 =	ssub.s32 $0x2, s12;
	s8 =	smul.u32 $0x50, s3;
	p0 =	seq.s32 s12, $0x1  }
0xb: {  	s19 =	smul.u32 $0x2800, s3;
	s9 =	sshrl.u32 s7, $0x1;
	s18 =	simm.s32 @!p0 $0x15200  }
0xc: {  	s6 =	sshrl.u32 s6, $0x2;
	s16 =	ssub.s32 s7, s9;
	s8 =	sadd.s32 s8, s5  }
0xd: {  	s31 =	sadd.s32 s18, s14;
	s18 =	simm.s32 $0x1400;
	s5 =	sadd.s32 s6, s2  }
0xe: {  	s17 =	sshll.u32 s8, $0x4;
	s14 =	smax.u32 s16, $0x1;
	s16 =	simm.s32 $0x2800  }
0xf: {  	s6 =	sadd.s32 $0x4000, s5;
	s7 =	sadd.s32 $0x8000, s5;
	s8 =	sadd.s32 $0xC000, s5  }
0x10: {  	s10 =	sadd.s32 s13, s17;
	s11 =	sadd.s32 s15, s17;
	s17 =	sadd.s32 $0x280, s17  }
0x11: {  	s9 =	sadd.s32 $0x10000, s5;
	s12 =	sadd.s32 s13, s17;
	s13 =	sadd.s32 s15, s17  }
0x12: {  	v0 =	vimm.f32 $0.0e+00;
	s15 =	sadd.s32 s31, s19;
	s17 =	simm.s32 $0x3;
	s19 =	simm.s32 $0x80  }
.LBB2_1:
0x13: {  	_ =	strace $0x80000048;
	s26 =	simm.s32 $0x0;
	s28 =	simm.s32 $0x200  }
.LBB2_2:
0x14: {  	p0 =	sne.s32 s28, $0xFE00;
	[tilespmem:s26+$0x2870] =	vst v0  }
0x15: {  	[tilespmem:s26+$0x2800] =	vst v0  }
0x16: {  	[tilespmem:s26+$0x2810] =	vst v0  }
.Ltmp0:
0x17: {  	[tilespmem:s26+$0x2820] =	vst v0;
	(pc) =	sbr.rel @p0 .LBB2_2-.Ltmp0, $4  }
0x18: {  	[tilespmem:s26+$0x2830] =	vst v0  }
0x19: {  	[tilespmem:s26+$0x2840] =	vst v0  }
0x1a: {  	[tilespmem:s26+$0x2850] =	vst v0  }
0x1b: {  	[tilespmem:s26+$0x2860] =	vst v0;
	s26 =	sshra.s32 s28, $0x2;
	s28 =	sadd.s32 $0x200, s28  }
0x1c: {  	[tilespmem:s26+$0x2870] =	vst v0  }
0x1d: {  	[tilespmem:s26+$0x2800] =	vst v0  }
0x1e: {  	[tilespmem:s26+$0x2810] =	vst v0  }
0x1f: {  	[tilespmem:s26+$0x2820] =	vst v0  }
0x20: {  	[tilespmem:s26+$0x2830] =	vst v0  }
0x21: {  	[tilespmem:s26+$0x2840] =	vst v0  }
0x22: {  	[tilespmem:s26+$0x2850] =	vst v0  }
0x23: {  	[tilespmem:s26+$0x2860] =	vst v0  }
0x24: {  	[spmem:s5] =	stream.linear.scatter [tilespmem:s16], [sflag:$0x3], $0x4000, $0x200038;
	[tilespmem:$0x1E800] =	vst v63  }
0x25: {  	_ =	swait.ge [sflag:s17], $0x4000  }
0x26: {  	[sflag:s17] =	ssyncset.done $0x0  }
0x27: {  	[sflag:s17] =	ssyncadd.s32 $0xFFFFC000  }
0x28: {  	[spmem:s6] =	stream.linear.scatter [tilespmem:s16], [sflag:$0x3], $0x4000, $0x200038;
	[tilespmem:$0x1E800] =	vst v63  }
0x29: {  	_ =	swait.ge [sflag:s17], $0x4000  }
0x2a: {  	[sflag:s17] =	ssyncset.done $0x0  }
0x2b: {  	[sflag:s17] =	ssyncadd.s32 $0xFFFFC000  }
0x2c: {  	[spmem:s7] =	stream.linear.scatter [tilespmem:s16], [sflag:$0x3], $0x4000, $0x200038;
	[tilespmem:$0x1E800] =	vst v63  }
0x2d: {  	_ =	swait.ge [sflag:s17], $0x4000  }
0x2e: {  	[sflag:s17] =	ssyncset.done $0x0  }
0x2f: {  	[sflag:s17] =	ssyncadd.s32 $0xFFFFC000  }
0x30: {  	[spmem:s8] =	stream.linear.scatter [tilespmem:s16], [sflag:$0x3], $0x4000, $0x200038;
	[tilespmem:$0x1E800] =	vst v63  }
0x31: {  	_ =	swait.ge [sflag:s17], $0x4000  }
0x32: {  	[sflag:s17] =	ssyncset.done $0x0  }
0x33: {  	[sflag:s17] =	ssyncadd.s32 $0xFFFFC000  }
0x34: {  	[spmem:s9] =	stream.linear.scatter [tilespmem:s16], [sflag:$0x3], $0x4000, $0x200038;
	[tilespmem:$0x1E800] =	vst v63  }
0x35: {  	_ =	swait.ge [sflag:s17], $0x4000  }
0x36: {  	[sflag:s17] =	ssyncset.done $0x0  }
0x37: {  	[sflag:s17] =	ssyncadd.s32 $0xFFFFC000  }
0x38: {  	[bflag:$0x0] =	sbarrier.arrive $0xFFFF  }
0x39: {  	_ =	strace $0x90000048  }
0x3a: {  	s30 =	simm.s32 $0x0;
	_ =	strace $0x80000049  }
0x3b: {  	[tilespmem:s30], [sflag:$0x3] =	stream.linear.gather [hbm4b:s10+s30], $0x1400, $0x200038;
	[tilespmem:$0x1E800] =	vst v63  }
0x3c: {  	_ =	swait.ge [sflag:s17], $0x1400  }
0x3d: {  	[sflag:s17] =	ssyncset.done $0x0  }
0x3e: {  	[sflag:s17] =	ssyncadd.s32 $0xFFFFEC00  }
0x3f: {  	[tilespmem:s18], [sflag:$0x3] =	stream.linear.gather [hbm4b:s11+s30], $0x1400, $0x200038;
	[tilespmem:$0x1E800] =	vst v63  }
0x40: {  	_ =	swait.ge [sflag:s17], $0x1400  }
0x41: {  	[sflag:s17] =	ssyncset.done $0x0  }
0x42: {  	[sflag:s17] =	ssyncadd.s32 $0xFFFFEC00  }
0x43: {  	[tilespmem:s16], [sflag:$0x1] =	stream.indirect.gather [hbm4b:s1+s19], $0x80, s30, s19, $0x2000b8;
	[tilespmem:$0x1E800] =	vst v63  }
0x44: {  	s31 =	simm.s32 $0x80  }
0x45: {  	[tilespmem:s20], [sflag:$0x2] =	stream.indirect.gather [hbm4b:s1+s19], $0x80, s31, s19, $0x2000b8;
	[tilespmem:$0x1E800] =	vst v63  }
0x46: {  	_ =	swait.ge [sflag:s21], $0x4000  }
0x47: {  	[sflag:s21] =	ssyncset.done $0x0  }
0x48: {  	s29 =	simm.s32 $0x1400;
	[sflag:s21] =	ssyncadd.s32 $0xFFFFC000  }
0x49: {  	[spmem:s2] =	stream.indirect.scatter.add.f32 [tilespmem:s16], [sflag:$0x3], $0x80, s29, s19, $0x2000b8;
	[tilespmem:$0x1E800] =	vst v63  }
0x4a: {  	_ =	swait.ge [sflag:s17], $0x4000  }
0x4b: {  	[sflag:s17] =	ssyncset.done $0x0  }
0x4c: {  	s30 =	simm.s32 $0x100;
	[sflag:s17] =	ssyncadd.s32 $0xFFFFC000  }
0x4d: {  	[tilespmem:s16], [sflag:$0x1] =	stream.indirect.gather [hbm4b:s1+s19], $0x80, s30, s19, $0x2000b8;
	[tilespmem:$0x1E800] =	vst v63  }
0x4e: {  	_ =	swait.ge [sflag:s22], $0x4000  }
0x4f: {  	[sflag:s22] =	ssyncset.done $0x0  }
0x50: {  	s31 =	simm.s32 $0x1480;
	[sflag:s22] =	ssyncadd.s32 $0xFFFFC000  }
0x51: {  	[spmem:s2] =	stream.indirect.scatter.add.f32 [tilespmem:s20], [sflag:$0x3], $0x80, s31, s19, $0x2000b8;
	[tilespmem:$0x1E800] =	vst v63  }
0x52: {  	_ =	swait.ge [sflag:s17], $0x4000  }
0x53: {  	s28 =	simm.s32 $0x800;
	s26 =	simm.s32 $0x100;
	[sflag:s17] =	ssyncset.done $0x0  }
.LBB2_4:
0x54: {  	s29 =	sadd.s32 $0x80, s26  }
0x55: {  	[sflag:s17] =	ssyncadd.s32 $0xFFFFC000;
	s30 =	smov.u32 s28;
	s31 =	sadd.s32 $0x400, s28  }
0x56: {  	[tilespmem:s20], [sflag:$0x2] =	stream.indirect.gather [hbm4b:s1+s19], $0x80, s29, s19, $0x2000b8;
	[tilespmem:$0x1E800] =	vst v63  }
0x57: {  	p0 =	sne.s32 s28, $0x4800;
	_ =	swait.ge [sflag:s21], $0x4000  }
0x58: {  	[sflag:s21] =	ssyncset.done $0x0  }
0x59: {  	s28 =	sadd.s32 $0x1400, s26;
	[sflag:s21] =	ssyncadd.s32 $0xFFFFC000  }
0x5a: {  	[spmem:s2] =	stream.indirect.scatter.add.f32 [tilespmem:s16], [sflag:$0x3], $0x80, s28, s19, $0x2000b8;
	[tilespmem:$0x1E800] =	vst v63  }
0x5b: {  	_ =	swait.ge [sflag:s17], $0x4000  }
0x5c: {  	[sflag:s17] =	ssyncset.done $0x0  }
0x5d: {  	s28 =	sadd.s32 $0x100, s26;
	[sflag:s17] =	ssyncadd.s32 $0xFFFFC000  }
0x5e: {  	[tilespmem:s16], [sflag:$0x1] =	stream.indirect.gather [hbm4b:s1+s19], $0x80, s28, s19, $0x2000b8;
	[tilespmem:$0x1E800] =	vst v63  }
0x5f: {  	_ =	swait.ge [sflag:s22], $0x4000  }
.Ltmp1:
0x60: {  	[sflag:s22] =	ssyncset.done $0x0;
	(pc) =	sbr.rel @p0 .LBB2_4-.Ltmp1, $4  }
0x61: {  	s26 =	sadd.s32 $0x1480, s26;
	[sflag:s22] =	ssyncadd.s32 $0xFFFFC000  }
0x62: {  	[spmem:s2] =	stream.indirect.scatter.add.f32 [tilespmem:s20], [sflag:$0x3], $0x80, s26, s19, $0x2000b8;
	[tilespmem:$0x1E800] =	vst v63  }
0x63: {  	_ =	swait.ge [sflag:s17], $0x4000  }
0x64: {  	s28 =	smov.u32 s31;
	s26 =	sshra.s32 s30, $0x2;
	[sflag:s17] =	ssyncset.done $0x0  }
0x65: {  	s28 =	sadd.s32 $0x80, s26;
	[sflag:s17] =	ssyncadd.s32 $0xFFFFC000  }
0x66: {  	[tilespmem:s20], [sflag:$0x2] =	stream.indirect.gather [hbm4b:s1+s19], $0x80, s28, s19, $0x2000b8;
	[tilespmem:$0x1E800] =	vst v63  }
0x67: {  	_ =	swait.ge [sflag:s21], $0x4000  }
0x68: {  	[sflag:s21] =	ssyncset.done $0x0  }
0x69: {  	s28 =	sadd.s32 $0x1400, s26;
	[sflag:s21] =	ssyncadd.s32 $0xFFFFC000  }
0x6a: {  	[spmem:s2] =	stream.indirect.scatter.add.f32 [tilespmem:s16], [sflag:$0x3], $0x80, s28, s19, $0x2000b8;
	[tilespmem:$0x1E800] =	vst v63  }
0x6b: {  	_ =	swait.ge [sflag:s17], $0x4000  }
0x6c: {  	[sflag:s17] =	ssyncset.done $0x0  }
0x6d: {  	s28 =	sadd.s32 $0x100, s26;
	[sflag:s17] =	ssyncadd.s32 $0xFFFFC000  }
0x6e: {  	[tilespmem:s16], [sflag:$0x1] =	stream.indirect.gather [hbm4b:s1+s19], $0x80, s28, s19, $0x2000b8;
	[tilespmem:$0x1E800] =	vst v63  }
0x6f: {  	_ =	swait.ge [sflag:s22], $0x4000  }
0x70: {  	[sflag:s22] =	ssyncset.done $0x0  }
0x71: {  	s29 =	sadd.s32 $0x1480, s26;
	[sflag:s22] =	ssyncadd.s32 $0xFFFFC000  }
0x72: {  	[spmem:s2] =	stream.indirect.scatter.add.f32 [tilespmem:s20], [sflag:$0x3], $0x80, s29, s19, $0x2000b8;
	[tilespmem:$0x1E800] =	vst v63  }
0x73: {  	_ =	swait.ge [sflag:s17], $0x4000  }
0x74: {  	[sflag:s17] =	ssyncset.done $0x0  }
0x75: {  	[sflag:s17] =	ssyncadd.s32 $0xFFFFC000  }
0x76: {  	[tilespmem:s20], [sflag:$0x2] =	stream.indirect.gather [hbm4b:s1+s19], $0x80, s23, s19, $0x2000b8;
	[tilespmem:$0x1E800] =	vst v63  }
0x77: {  	_ =	swait.ge [sflag:s21], $0x4000  }
0x78: {  	[sflag:s21] =	ssyncset.done $0x0  }
0x79: {  	[sflag:s21] =	ssyncadd.s32 $0xFFFFC000  }
0x7a: {  	[spmem:s2] =	stream.indirect.scatter.add.f32 [tilespmem:s16], [sflag:$0x3], $0x80, s24, s19, $0x2000b8;
	[tilespmem:$0x1E800] =	vst v63  }
0x7b: {  	_ =	swait.ge [sflag:s17], $0x4000  }
0x7c: {  	[sflag:s17] =	ssyncset.done $0x0  }
0x7d: {  	[sflag:s17] =	ssyncadd.s32 $0xFFFFC000  }
0x7e: {  	_ =	swait.ge [sflag:s22], $0x4000  }
0x7f: {  	[sflag:s22] =	ssyncset.done $0x0  }
0x80: {  	[sflag:s22] =	ssyncadd.s32 $0xFFFFC000  }
0x81: {  	[spmem:s2] =	stream.indirect.scatter.add.f32 [tilespmem:s20], [sflag:$0x3], $0x80, s25, s19, $0x2000b8;
	[tilespmem:$0x1E800] =	vst v63  }
0x82: {  	_ =	swait.ge [sflag:s17], $0x4000  }
0x83: {  	[sflag:s17] =	ssyncset.done $0x0  }
0x84: {  	[sflag:s17] =	ssyncadd.s32 $0xFFFFC000  }
0x85: {  	_ =	strace $0x90000049  }
0x86: {  	s30 =	simm.s32 $0x0;
	_ =	strace $0x8000004A  }
0x87: {  	[tilespmem:s30], [sflag:$0x3] =	stream.linear.gather [hbm4b:s12+s30], $0x1400, $0x200038;
	[tilespmem:$0x1E800] =	vst v63  }
0x88: {  	_ =	swait.ge [sflag:s17], $0x1400  }
0x89: {  	[sflag:s17] =	ssyncset.done $0x0  }
0x8a: {  	[sflag:s17] =	ssyncadd.s32 $0xFFFFEC00  }
0x8b: {  	[tilespmem:s18], [sflag:$0x3] =	stream.linear.gather [hbm4b:s13+s30], $0x1400, $0x200038;
	[tilespmem:$0x1E800] =	vst v63  }
0x8c: {  	_ =	swait.ge [sflag:s17], $0x1400  }
0x8d: {  	[sflag:s17] =	ssyncset.done $0x0  }
0x8e: {  	[sflag:s17] =	ssyncadd.s32 $0xFFFFEC00  }
0x8f: {  	[tilespmem:s16], [sflag:$0x1] =	stream.indirect.gather [hbm4b:s1+s19], $0x80, s30, s19, $0x2000b8;
	[tilespmem:$0x1E800] =	vst v63  }
0x90: {  	s31 =	simm.s32 $0x80  }
0x91: {  	[tilespmem:s20], [sflag:$0x2] =	stream.indirect.gather [hbm4b:s1+s19], $0x80, s31, s19, $0x2000b8;
	[tilespmem:$0x1E800] =	vst v63  }
0x92: {  	_ =	swait.ge [sflag:s21], $0x4000  }
0x93: {  	[sflag:s21] =	ssyncset.done $0x0  }
0x94: {  	s29 =	simm.s32 $0x1400;
	[sflag:s21] =	ssyncadd.s32 $0xFFFFC000  }
0x95: {  	[spmem:s2] =	stream.indirect.scatter.add.f32 [tilespmem:s16], [sflag:$0x3], $0x80, s29, s19, $0x2000b8;
	[tilespmem:$0x1E800] =	vst v63  }
0x96: {  	_ =	swait.ge [sflag:s17], $0x4000  }
0x97: {  	[sflag:s17] =	ssyncset.done $0x0  }
0x98: {  	s30 =	simm.s32 $0x100;
	[sflag:s17] =	ssyncadd.s32 $0xFFFFC000  }
0x99: {  	[tilespmem:s16], [sflag:$0x1] =	stream.indirect.gather [hbm4b:s1+s19], $0x80, s30, s19, $0x2000b8;
	[tilespmem:$0x1E800] =	vst v63  }
0x9a: {  	_ =	swait.ge [sflag:s22], $0x4000  }
0x9b: {  	[sflag:s22] =	ssyncset.done $0x0  }
0x9c: {  	s31 =	simm.s32 $0x1480;
	[sflag:s22] =	ssyncadd.s32 $0xFFFFC000  }
0x9d: {  	[spmem:s2] =	stream.indirect.scatter.add.f32 [tilespmem:s20], [sflag:$0x3], $0x80, s31, s19, $0x2000b8;
	[tilespmem:$0x1E800] =	vst v63  }
0x9e: {  	_ =	swait.ge [sflag:s17], $0x4000  }
0x9f: {  	s26 =	simm.s32 $0x100;
	s28 =	simm.s32 $0x800;
	[sflag:s17] =	ssyncset.done $0x0  }
.LBB2_6:
0xa0: {  	s29 =	sadd.s32 $0x80, s26  }
0xa1: {  	[sflag:s17] =	ssyncadd.s32 $0xFFFFC000;
	s30 =	smov.u32 s28;
	s31 =	sadd.s32 $0x400, s28  }
0xa2: {  	[tilespmem:s20], [sflag:$0x2] =	stream.indirect.gather [hbm4b:s1+s19], $0x80, s29, s19, $0x2000b8;
	[tilespmem:$0x1E800] =	vst v63  }
0xa3: {  	p0 =	sne.s32 s28, $0x4800;
	_ =	swait.ge [sflag:s21], $0x4000  }
0xa4: {  	[sflag:s21] =	ssyncset.done $0x0  }
0xa5: {  	s28 =	sadd.s32 $0x1400, s26;
	[sflag:s21] =	ssyncadd.s32 $0xFFFFC000  }
0xa6: {  	[spmem:s2] =	stream.indirect.scatter.add.f32 [tilespmem:s16], [sflag:$0x3], $0x80, s28, s19, $0x2000b8;
	[tilespmem:$0x1E800] =	vst v63  }
0xa7: {  	_ =	swait.ge [sflag:s17], $0x4000  }
0xa8: {  	[sflag:s17] =	ssyncset.done $0x0  }
0xa9: {  	s28 =	sadd.s32 $0x100, s26;
	[sflag:s17] =	ssyncadd.s32 $0xFFFFC000  }
0xaa: {  	[tilespmem:s16], [sflag:$0x1] =	stream.indirect.gather [hbm4b:s1+s19], $0x80, s28, s19, $0x2000b8;
	[tilespmem:$0x1E800] =	vst v63  }
0xab: {  	_ =	swait.ge [sflag:s22], $0x4000  }
.Ltmp2:
0xac: {  	[sflag:s22] =	ssyncset.done $0x0;
	(pc) =	sbr.rel @p0 .LBB2_6-.Ltmp2, $4  }
0xad: {  	s26 =	sadd.s32 $0x1480, s26;
	[sflag:s22] =	ssyncadd.s32 $0xFFFFC000  }
0xae: {  	[spmem:s2] =	stream.indirect.scatter.add.f32 [tilespmem:s20], [sflag:$0x3], $0x80, s26, s19, $0x2000b8;
	[tilespmem:$0x1E800] =	vst v63  }
0xaf: {  	_ =	swait.ge [sflag:s17], $0x4000  }
0xb0: {  	s28 =	smov.u32 s31;
	s26 =	sshra.s32 s30, $0x2;
	[sflag:s17] =	ssyncset.done $0x0  }
0xb1: {  	s28 =	sadd.s32 $0x80, s26;
	[sflag:s17] =	ssyncadd.s32 $0xFFFFC000  }
0xb2: {  	[tilespmem:s20], [sflag:$0x2] =	stream.indirect.gather [hbm4b:s1+s19], $0x80, s28, s19, $0x2000b8;
	[tilespmem:$0x1E800] =	vst v63  }
0xb3: {  	_ =	swait.ge [sflag:s21], $0x4000  }
0xb4: {  	[sflag:s21] =	ssyncset.done $0x0  }
0xb5: {  	s30 =	sadd.s32 $0x1400, s26;
	[sflag:s21] =	ssyncadd.s32 $0xFFFFC000  }
0xb6: {  	[spmem:s2] =	stream.indirect.scatter.add.f32 [tilespmem:s16], [sflag:$0x3], $0x80, s30, s19, $0x2000b8;
	[tilespmem:$0x1E800] =	vst v63  }
0xb7: {  	_ =	swait.ge [sflag:s17], $0x4000  }
0xb8: {  	[sflag:s17] =	ssyncset.done $0x0  }
0xb9: {  	s31 =	sadd.s32 $0x100, s26;
	[sflag:s17] =	ssyncadd.s32 $0xFFFFC000  }
0xba: {  	[tilespmem:s16], [sflag:$0x1] =	stream.indirect.gather [hbm4b:s1+s19], $0x80, s31, s19, $0x2000b8;
	[tilespmem:$0x1E800] =	vst v63  }
0xbb: {  	_ =	swait.ge [sflag:s22], $0x4000  }
0xbc: {  	[sflag:s22] =	ssyncset.done $0x0  }
0xbd: {  	s29 =	sadd.s32 $0x1480, s26;
	[sflag:s22] =	ssyncadd.s32 $0xFFFFC000  }
0xbe: {  	[spmem:s2] =	stream.indirect.scatter.add.f32 [tilespmem:s20], [sflag:$0x3], $0x80, s29, s19, $0x2000b8;
	[tilespmem:$0x1E800] =	vst v63  }
0xbf: {  	_ =	swait.ge [sflag:s17], $0x4000  }
0xc0: {  	[sflag:s17] =	ssyncset.done $0x0  }
0xc1: {  	[sflag:s17] =	ssyncadd.s32 $0xFFFFC000  }
0xc2: {  	[tilespmem:s20], [sflag:$0x2] =	stream.indirect.gather [hbm4b:s1+s19], $0x80, s23, s19, $0x2000b8;
	[tilespmem:$0x1E800] =	vst v63  }
0xc3: {  	_ =	swait.ge [sflag:s21], $0x4000  }
0xc4: {  	[sflag:s21] =	ssyncset.done $0x0  }
0xc5: {  	[sflag:s21] =	ssyncadd.s32 $0xFFFFC000  }
0xc6: {  	[spmem:s2] =	stream.indirect.scatter.add.f32 [tilespmem:s16], [sflag:$0x3], $0x80, s24, s19, $0x2000b8;
	[tilespmem:$0x1E800] =	vst v63  }
0xc7: {  	_ =	swait.ge [sflag:s17], $0x4000  }
0xc8: {  	[sflag:s17] =	ssyncset.done $0x0  }
0xc9: {  	[sflag:s17] =	ssyncadd.s32 $0xFFFFC000  }
0xca: {  	_ =	swait.ge [sflag:s22], $0x4000  }
0xcb: {  	[sflag:s22] =	ssyncset.done $0x0  }
0xcc: {  	[sflag:s22] =	ssyncadd.s32 $0xFFFFC000  }
0xcd: {  	[spmem:s2] =	stream.indirect.scatter.add.f32 [tilespmem:s20], [sflag:$0x3], $0x80, s25, s19, $0x2000b8;
	[tilespmem:$0x1E800] =	vst v63  }
0xce: {  	_ =	swait.ge [sflag:s17], $0x4000  }
0xcf: {  	[sflag:s17] =	ssyncset.done $0x0  }
0xd0: {  	[sflag:s17] =	ssyncadd.s32 $0xFFFFC000  }
0xd1: {  	_ =	strace $0x9000004A  }
0xd2: {  	s4 =	sadd.s32 $0x1, s4;
	s30 =	sshll.u32 s3, $0x6;
	_ =	strace $0x8000004B  }
0xd3: {  	p0 =	sne.s32 s4, s14;
	s26 =	sor.u32 $0x1C03, s30;
	[bflag:$0x0] =	sbarrier.arrive $0xFFFF  }
.Ltmp3:
0xd4: {  	s31 =	sshrl.u32 s5, $0x3;
	_ =	strace $0x9000004B;
	(pc) =	sbr.rel @p0 .LBB2_1-.Ltmp3, $4  }
0xd5: {  	[hbm:s15], [sflag:s26] =	dma.local [spmem:s31], $0x2800  }
0xd6: {  	_ =	swait.ge [sflag:s17], $0x2800  }
0xd7: {  	[sflag:s17] =	ssyncset.done $0x0  }
0xd8: {  	[sflag:s17] =	ssyncadd.s32 $0xFFFFD800  }
0xd9: {  	_ =	sfence.sel $0x180000  }
0xda: {  	[bflag:$0x0] =	sbarrier.arrive $0xFFFF  }
0xdb: {  	p0 =	sne.s32 s3, $0x0;
	_ =	strace $0x90000047  }
0xdc: {  	s0 =	sadd.s32 @!p0 $0x100000, s0;
	[bflag:$0x2] =	sbarrier.arrive $0xFFFF  }
0xdd: {  	[sflag:s0] =	ssyncadd.tile.s32 @!p0 $0x1;
	_ =	shalt  }
.Lfunc_end2:
_tile_overlayer_lowered:
.L_overlay_start_2:
0xde: {  	(tag) =	ssettag $0x2  }
0xdf: {  	s0 =	rddreg [dreg:$0x0];
	s2 =	stileid.u32  }
0xe0: {  	s1 =	rddreg [dreg:$0x1];
	p0 =	sne.s32 s2, $0x0  }
0xe1: {  	s3 =	rddreg [dreg:$0x2];
	[bflag:$0x3] =	sbarrier.arrive $0xFFFF;
	s2 =	simm.s32 @!p0 $0x1C03  }
0xe2: {  	[timem:s3], [sflag:s2] =	dma.local @!p0 [hbm:s0], s1  }
0xe3: {  	s0 =	simm.s32 @!p0 $0x3  }
0xe4: {  	_ =	swait.ge @!p0 [sflag:s0], s1  }
0xe5: {  	s1 =	ssub.s32 @!p0 $0x0, s1;
	[sflag:s0] =	ssyncset.done @!p0 $0x0  }
0xe6: {  	[sflag:s0] =	ssyncadd.s32 @!p0 s1  }
0xe7: {  	[bflag:$0x3] =	sbarrier.arrive $0xFFFF  }
0xe8: {  	_ =	shalt  }

</sc_bundles>
